<compile_context>
chip_gen: v7x
topology: tpu7x:2x2x1
jax: 0.10.2.dev20260603
libtpu: 0.0.44.dev20260713+nightly
codegen_flags: <defaults>
</compile_context>

<pallas_src>
import dataclasses
import functools

import jax
import jax.numpy as jnp
from jax import lax
from jax.experimental import pallas as pl
from jax.experimental.pallas import tpu as pltpu
from jax.experimental.pallas import tpu_sc as plsc

NUM_CORES = 2
NUM_SUBCORES = 16
NUM_TILES = NUM_CORES * NUM_SUBCORES
BATCHES_PER_TILE = 2
CHUNK_V = 32
CHUNK_M = 64
LANES = 16


def _sc_cmask(n_batch, n_vis, n_tok, h, m):
    vslots = n_tok // CHUNK_V
    mslots = n_tok // CHUNK_M
    mesh = plsc.VectorSubcoreMesh(core_axis_name="c", subcore_axis_name="s")
    cp = pltpu.CompilerParams()
    if "needs_layout_passes" in pltpu.CompilerParams.__dataclass_fields__:
        cp = dataclasses.replace(cp, needs_layout_passes=False)

    @functools.partial(
        pl.kernel,
        out_type=jax.ShapeDtypeStruct((n_batch * n_tok, h), jnp.float32),
        mesh=mesh,
        compiler_params=cp,
        scratch_types=[
            pltpu.VMEM((n_tok,), jnp.int32),
            pltpu.VMEM((n_tok + CHUNK_V,), jnp.int32),
            pltpu.VMEM((n_tok + CHUNK_V,), jnp.int32),
            pltpu.VMEM((n_tok + CHUNK_M,), jnp.int32),
            pltpu.VMEM((CHUNK_M, h), jnp.float32),
            pltpu.VMEM((2, CHUNK_V, h), jnp.float32),
            pltpu.VMEM((BATCHES_PER_TILE * vslots, CHUNK_V), jnp.int32),
            pltpu.VMEM((BATCHES_PER_TILE * vslots, CHUNK_V), jnp.int32),
            pltpu.VMEM((BATCHES_PER_TILE * mslots, CHUNK_M), jnp.int32),
            pltpu.SemaphoreType.DMA,
            pltpu.SemaphoreType.DMA,
            pltpu.SemaphoreType.DMA,
        ],
    )
    def k(inp_hbm, mst_hbm, mask_hbm, unmask_hbm, out_hbm,
          idx_v, vpos_v, src_v, mpos_v, mstblk_v, rows_v,
          vsrc2d, vdst2d, mdst2d, sem_m, sem_v0, sem_v1):
        wid = lax.axis_index("s") * NUM_CORES + lax.axis_index("c")

        h_mstblk = pltpu.async_copy(mst_hbm.at[wid], mstblk_v, sem_m)
        pltpu.sync_copy(mask_hbm, idx_v.at[pl.ds(0, m)])
        pltpu.sync_copy(unmask_hbm, idx_v.at[pl.ds(m, n_tok - m)])

        lane = lax.iota(jnp.int32, LANES)

        def compact(g, counts):
            kv, km = counts
            v = idx_v[pl.ds(g * LANES, LANES)]
            ar_vec = g * LANES + lane
            vism = v >= m
            ones_v = vism.astype(jnp.int32)
            cs_v = jnp.cumsum(ones_v)
            pos_v = kv + cs_v - 1
            plsc.store_scatter(vpos_v, [pos_v], ar_vec, mask=vism)
            plsc.store_scatter(src_v, [pos_v], v - m, mask=vism)
            cs_m = jnp.cumsum(1 - ones_v)
            pos_m = km + cs_m - 1
            plsc.store_scatter(mpos_v, [pos_m], ar_vec, mask=~vism)
            return kv + jnp.max(cs_v), km + jnp.max(cs_m)

        kv, km = lax.fori_loop(0, n_tok // LANES, compact, (0, 0))

        vd = jnp.broadcast_to(jnp.maximum(kv - 1, 0), (LANES,))
        vdup = plsc.load_gather(vpos_v, [vd])
        sdup = plsc.load_gather(src_v, [vd])
        md = jnp.broadcast_to(jnp.maximum(km - 1, 0), (LANES,))
        mdup = plsc.load_gather(mpos_v, [md])
        for t in range(CHUNK_V // LANES):
            plsc.store_scatter(vpos_v, [kv + t * LANES + lane], vdup)
            plsc.store_scatter(src_v, [kv + t * LANES + lane], sdup)
        for t in range(CHUNK_M // LANES):
            plsc.store_scatter(mpos_v, [km + t * LANES + lane], mdup)

        h_mstblk.wait()

        sems_v = (sem_v0, sem_v1)
        for nb in range(BATCHES_PER_TILE):
            out_off = (wid * BATCHES_PER_TILE + nb) * n_tok

            @pl.loop(0, mslots)
            def _(s, nb=nb, out_off=out_off):
                @pl.when(s * CHUNK_M < km)
                def _():
                    row = nb * mslots + s
                    for g in range(CHUNK_M // LANES):
                        pos = mpos_v[pl.ds(s * CHUNK_M + g * LANES, LANES)]
                        mdst2d[row, pl.ds(g * LANES, LANES)] = pos + out_off
                    pltpu.async_copy(mstblk_v, out_hbm.at[mdst2d.at[row]], sem_m)

        for nb in range(BATCHES_PER_TILE):
            b = wid * BATCHES_PER_TILE + nb
            out_off = b * n_tok
            in_off = b * n_vis

            @pl.loop(0, vslots, step=2)
            def _(s0, nb=nb, out_off=out_off, in_off=in_off):
                for p in range(2):
                    s = s0 + p

                    @pl.when(jnp.logical_and(s * CHUNK_V < kv, s >= 2))
                    def _(p=p, s=s):
                        pltpu.make_async_copy(
                            rows_v.at[p], out_hbm.at[pl.ds(0, CHUNK_V)], sems_v[p]
                        ).wait()

                    @pl.when(s * CHUNK_V < kv)
                    def _(p=p, s=s):
                        row = nb * vslots + s
                        for g in range(CHUNK_V // LANES):
                            sl = pl.ds(s * CHUNK_V + g * LANES, LANES)
                            vsrc2d[row, pl.ds(g * LANES, LANES)] = src_v[sl] + in_off
                            vdst2d[row, pl.ds(g * LANES, LANES)] = vpos_v[sl] + out_off
                        pltpu.sync_copy(inp_hbm.at[vsrc2d.at[row]], rows_v.at[p])
                        pltpu.async_copy(rows_v.at[p], out_hbm.at[vdst2d.at[row]], sems_v[p])

            for p in range(2):
                @pl.when(p * CHUNK_V < kv)
                def _(p=p):
                    pltpu.make_async_copy(
                        rows_v.at[p], out_hbm.at[pl.ds(0, CHUNK_V)], sems_v[p]
                    ).wait()

        @pl.loop(0, mslots)
        def _(s):
            @pl.when(s * CHUNK_M < km)
            def _():
                for _ in range(BATCHES_PER_TILE):
                    pltpu.make_async_copy(
                        mstblk_v, out_hbm.at[pl.ds(0, CHUNK_M)], sem_m
                    ).wait()

    return k


def kernel(inputs, mask_indices, un_masked_indices, mst):
    b, n_vis, h = inputs.shape
    m = mask_indices.shape[0]
    n_tok = m + n_vis

    mst_blk = jnp.broadcast_to(
        mst.reshape(1, 1, h).astype(inputs.dtype), (NUM_TILES, CHUNK_M, h)
    )
    out = _sc_cmask(b, n_vis, n_tok, h, m)(
        inputs.reshape(b * n_vis, h),
        mst_blk,
        mask_indices.astype(jnp.int32),
        un_masked_indices.astype(jnp.int32),
    )
    return out.reshape(b, n_tok, h)

# --- scband reference (transcript-rebuilt; emitter-appended) ---
"""Pipeline reference for scband-cmask-token-81664508166963 (READ-ONLY COPY).

The authoritative reference and input builder live on the scoring server;
editing this copy changes nothing except your own understanding.
"""

import jax, jax.numpy as jnp
import numpy as np


def setup_inputs(seed: int = 0) -> dict:
    key = jax.random.key(seed)
    k1, k2, k3, k4 = jax.random.split(key, 4)
    B, N_vis, H = 64, 256, 768
    M = 768
    N_total = M + N_vis
    inputs = jax.random.normal(k1, (B, N_vis, H), dtype=jnp.float32)
    mask_indices = jax.random.randint(k2, (M,), 0, N_total, dtype=jnp.int64) if jax.config.jax_enable_x64 else jax.random.randint(k2, (M,), 0, N_total).astype(jnp.int32)
    un_masked_indices = jax.random.randint(k3, (N_vis,), 0, N_total, dtype=jnp.int64) if jax.config.jax_enable_x64 else jax.random.randint(k3, (N_vis,), 0, N_total).astype(jnp.int32)
    # learned mask token parameter (built as (1, 1, hidden_size) in the Keras layer)
    mst = jax.random.normal(k4, (1, 1, H), dtype=jnp.float32)
    return {"inputs": inputs, "mask_indices": mask_indices, "un_masked_indices": un_masked_indices, "mst": mst}


def reference(inputs, mask_indices, un_masked_indices, mst):
    B = inputs.shape[0]
    H = inputs.shape[-1]
    M = mask_indices.shape[0]
    # broadcast mask token to [B, M, H]
    mst_broadcasted = jnp.broadcast_to(mst, (B, M, H)).astype(inputs.dtype)
    # concat index order: masked positions first, then unmasked
    indices = jnp.concatenate([mask_indices, un_masked_indices], axis=0)
    # concat mask tokens with encoder outputs along token axis
    updates = jnp.concatenate([mst_broadcasted, inputs], axis=1)
    # gather along token axis (axis=1), same indices for every batch element
    out = jnp.take(updates, indices, axis=1)
    return out

if __name__ == "__main__":
    import jax
    _d = setup_inputs()
    print(jax.jit(kernel)(*tuple(_d.values())))

</pallas_src>

<mosaic_0001>
#map = affine_map<(d0, d1) -> (0, 0)>
#map1 = affine_map<(d0, d1) -> (0, 0, 0)>
#map2 = affine_map<(d0, d1) -> (0)>
module attributes {stable_mosaic.version = 14 : i64} {
  func.func @k(%arg0: i32, %arg1: i32, %arg2: memref<16384x768xf32, #tpu.memory_space<hbm>>, %arg3: memref<32x64x768xf32, #tpu.memory_space<hbm>>, %arg4: memref<768xi32, #tpu.memory_space<hbm>>, %arg5: memref<256xi32, #tpu.memory_space<hbm>>, %arg6: memref<65536x768xf32, #tpu.memory_space<hbm>>, %arg7: memref<1024xi32, #tpu.memory_space<vmem>>, %arg8: memref<1056xi32, #tpu.memory_space<vmem>>, %arg9: memref<1056xi32, #tpu.memory_space<vmem>>, %arg10: memref<1088xi32, #tpu.memory_space<vmem>>, %arg11: memref<64x768xf32, #tpu.memory_space<vmem>>, %arg12: memref<2x32x768xf32, #tpu.memory_space<vmem>>, %arg13: memref<64x32xi32, #tpu.memory_space<vmem>>, %arg14: memref<64x32xi32, #tpu.memory_space<vmem>>, %arg15: memref<32x64xi32, #tpu.memory_space<vmem>>, %arg16: memref<!tpu.dma_semaphore, #tpu.memory_space<semaphore_mem>>, %arg17: memref<!tpu.dma_semaphore, #tpu.memory_space<semaphore_mem>>, %arg18: memref<!tpu.dma_semaphore, #tpu.memory_space<semaphore_mem>>) attributes {dimension_semantics = [#tpu.dimension_semantics<core_parallel>, #tpu.dimension_semantics<subcore_parallel>], iteration_bounds = array<i64: 2, 16>, scalar_prefetch = 0 : i64, scratch_operands = 12 : i64, tpu.core_type = #tpu.core_type<sc_vector_subcore>, window_params = [{transform_indices = #map}, {transform_indices = #map1}, {transform_indices = #map2}, {transform_indices = #map2}, {transform_indices = #map}]} {
    %mul3A = arith.constant 2 : i32
    %mul3A_0 = arith.muli %arg1, %mul3A : i32
    %add3A = arith.addi %mul3A_0, %arg0 : i32
    %dma_start3A = arith.constant 0 : i32
    %dma_start3A_1 = arith.constant 0 : i32
    %dma_start3A_2 = tpu.memref_slice %arg3[%add3A, %dma_start3A, %dma_start3A_1] : memref<32x64x768xf32, #tpu.memory_space<hbm>> -> memref<1x64x768xf32, #tpu.memory_space<hbm>>
    %dma_start3A_3 = tpu.memref_squeeze %dma_start3A_2 : memref<1x64x768xf32, #tpu.memory_space<hbm>> -> memref<64x768xf32, #tpu.memory_space<hbm>>
    %dma_start3A_4 = arith.constant 0 : i32
    %dma_start3A_5 = arith.constant 0 : i32
    %dma_start3A_6 = tpu.memref_slice %arg3[%add3A, %dma_start3A_4, %dma_start3A_5] : memref<32x64x768xf32, #tpu.memory_space<hbm>> -> memref<1x64x768xf32, #tpu.memory_space<hbm>>
    %dma_start3A_7 = tpu.memref_squeeze %dma_start3A_6 : memref<1x64x768xf32, #tpu.memory_space<hbm>> -> memref<64x768xf32, #tpu.memory_space<hbm>>
    tpu.enqueue_dma source(%dma_start3A_7 : memref<64x768xf32, #tpu.memory_space<hbm>>) target(%arg11 : memref<64x768xf32, #tpu.memory_space<vmem>>) target_semaphore(%arg16 : memref<!tpu.dma_semaphore, #tpu.memory_space<semaphore_mem>>)
    "tpu.region"() ({
      %run_scoped3A = tpu.sem_alloc : memref<!tpu.dma_semaphore, #tpu.memory_space<semaphore_mem>>
      %dma_start3A_133 = arith.constant 0 : i32
      %dma_start3A_134 = tpu.memref_slice %arg7[%dma_start3A_133] : memref<1024xi32, #tpu.memory_space<vmem>> -> memref<768xi32, #tpu.memory_space<vmem>>
      %dma_start3A_135 = arith.constant 0 : i32
      %dma_start3A_136 = tpu.memref_slice %arg7[%dma_start3A_135] : memref<1024xi32, #tpu.memory_space<vmem>> -> memref<768xi32, #tpu.memory_space<vmem>>
      tpu.enqueue_dma source(%arg4 : memref<768xi32, #tpu.memory_space<hbm>>) target(%dma_start3A_136 : memref<768xi32, #tpu.memory_space<vmem>>) target_semaphore(%run_scoped3A : memref<!tpu.dma_semaphore, #tpu.memory_space<semaphore_mem>>)
      %dma_wait3A_137 = arith.constant 0 : i32
      %dma_wait3A_138 = tpu.memref_slice %arg7[%dma_wait3A_137] : memref<1024xi32, #tpu.memory_space<vmem>> -> memref<768xi32, #tpu.memory_space<vmem>>
      %dma_wait3A_139 = arith.constant 0 : i32
      %dma_wait3A_140 = tpu.memref_slice %arg7[%dma_wait3A_139] : memref<1024xi32, #tpu.memory_space<vmem>> -> memref<768xi32, #tpu.memory_space<vmem>>
      tpu.wait_dma2 semaphore(%run_scoped3A : memref<!tpu.dma_semaphore, #tpu.memory_space<semaphore_mem>>) src(%arg4 : memref<768xi32, #tpu.memory_space<hbm>>) dst(%dma_wait3A_140 : memref<768xi32, #tpu.memory_space<vmem>>)
      tpu.yield
    }) : () -> ()
    "tpu.region"() ({
      %run_scoped3A = tpu.sem_alloc : memref<!tpu.dma_semaphore, #tpu.memory_space<semaphore_mem>>
      %dma_start3A_133 = arith.constant 768 : i32
      %dma_start3A_134 = tpu.memref_slice %arg7[%dma_start3A_133] : memref<1024xi32, #tpu.memory_space<vmem>> -> memref<256xi32, #tpu.memory_space<vmem>>
      %dma_start3A_135 = arith.constant 768 : i32
      %dma_start3A_136 = tpu.memref_slice %arg7[%dma_start3A_135] : memref<1024xi32, #tpu.memory_space<vmem>> -> memref<256xi32, #tpu.memory_space<vmem>>
      tpu.enqueue_dma source(%arg5 : memref<256xi32, #tpu.memory_space<hbm>>) target(%dma_start3A_136 : memref<256xi32, #tpu.memory_space<vmem>>) target_semaphore(%run_scoped3A : memref<!tpu.dma_semaphore, #tpu.memory_space<semaphore_mem>>)
      %dma_wait3A_137 = arith.constant 768 : i32
      %dma_wait3A_138 = tpu.memref_slice %arg7[%dma_wait3A_137] : memref<1024xi32, #tpu.memory_space<vmem>> -> memref<256xi32, #tpu.memory_space<vmem>>
      %dma_wait3A_139 = arith.constant 768 : i32
      %dma_wait3A_140 = tpu.memref_slice %arg7[%dma_wait3A_139] : memref<1024xi32, #tpu.memory_space<vmem>> -> memref<256xi32, #tpu.memory_space<vmem>>
      tpu.wait_dma2 semaphore(%run_scoped3A : memref<!tpu.dma_semaphore, #tpu.memory_space<semaphore_mem>>) src(%arg5 : memref<256xi32, #tpu.memory_space<hbm>>) dst(%dma_wait3A_140 : memref<256xi32, #tpu.memory_space<vmem>>)
      tpu.yield
    }) : () -> ()
    %iota3A = tpu.iota {dimensions = array<i32: 0>} : vector<16xi32>
    %scan3A = arith.constant 0 : i32
    %scan3A_8 = arith.constant 0 : i32
    %scan3A_9 = arith.constant 0 : i32
    %scan3A_10 = arith.constant 64 : i32
    %scan3A_11 = arith.addi %scan3A_9, %scan3A_10 : i32
    %scan3A_12 = arith.constant 1 : i32
    %scan3A_13:2 = scf.for %scan3A_133 = %scan3A_9 to %scan3A_11 step %scan3A_12 iter_args(%scan3A_134 = %scan3A, %scan3A_135 = %scan3A_8) -> (i32, i32)  : i32 {
      %mul3A_136 = arith.constant 16 : i32
      %mul3A_137 = arith.muli %scan3A_133, %mul3A_136 : i32
      %get3A = arith.index_cast %mul3A_137 : i32 to index
      %get3A_138 = tpu.vector_load %arg7[%get3A] {strides = array<i32>} : memref<1024xi32, #tpu.memory_space<vmem>>, vector<16xi32>,
      %mul3A_139 = arith.constant 16 : i32
      %mul3A_140 = arith.muli %scan3A_133, %mul3A_139 : i32
      %add3A_141 = vector.broadcast %mul3A_140 : i32 to vector<16xi32>
      %add3A_142 = arith.addi %add3A_141, %iota3A : vector<16xi32>
      %ge3A = arith.constant 768 : i32
      %ge3A_143 = vector.broadcast %ge3A : i32 to vector<16xi32>
      %ge3A_144 = arith.cmpi sge, %get3A_138, %ge3A_143 : vector<16xi32>
      %convert_element_type3A_145 = arith.extui %ge3A_144 : vector<16xi1> to vector<16xi32>
      %cumsum3A = arith.constant true
      %cumsum3A_146 = vector.broadcast %cumsum3A : i1 to vector<16xi1>
      %cumsum3A_147 = tpu.scan <sum>, %convert_element_type3A_145 masked %cumsum3A_146 : vector<16xi32>, vector<16xi1> -> vector<16xi32>
      %add3A_148 = vector.broadcast %scan3A_134 : i32 to vector<16xi32>
      %add3A_149 = arith.addi %add3A_148, %cumsum3A_147 : vector<16xi32>
      %sub3A_150 = arith.constant 1 : i32
      %sub3A_151 = vector.broadcast %sub3A_150 : i32 to vector<16xi32>
      %sub3A_152 = arith.subi %add3A_149, %sub3A_151 : vector<16xi32>
      tpu.vector_store_idx %arg8[%sub3A_152], %add3A_142 masked %ge3A_144 : memref<1056xi32, #tpu.memory_space<vmem>>[vector<16xi32>], vector<16xi32>, vector<16xi1>
      %sub3A_153 = arith.constant 768 : i32
      %sub3A_154 = vector.broadcast %sub3A_153 : i32 to vector<16xi32>
      %sub3A_155 = arith.subi %get3A_138, %sub3A_154 : vector<16xi32>
      tpu.vector_store_idx %arg9[%sub3A_152], %sub3A_155 masked %ge3A_144 : memref<1056xi32, #tpu.memory_space<vmem>>[vector<16xi32>], vector<16xi32>, vector<16xi1>
      %sub3A_156 = arith.constant 1 : i32
      %sub3A_157 = vector.broadcast %sub3A_156 : i32 to vector<16xi32>
      %sub3A_158 = arith.subi %sub3A_157, %convert_element_type3A_145 : vector<16xi32>
      %cumsum3A_159 = arith.constant true
      %cumsum3A_160 = vector.broadcast %cumsum3A_159 : i1 to vector<16xi1>
      %cumsum3A_161 = tpu.scan <sum>, %sub3A_158 masked %cumsum3A_160 : vector<16xi32>, vector<16xi1> -> vector<16xi32>
      %add3A_162 = vector.broadcast %scan3A_135 : i32 to vector<16xi32>
      %add3A_163 = arith.addi %add3A_162, %cumsum3A_161 : vector<16xi32>
      %sub3A_164 = arith.constant 1 : i32
      %sub3A_165 = vector.broadcast %sub3A_164 : i32 to vector<16xi32>
      %sub3A_166 = arith.subi %add3A_163, %sub3A_165 : vector<16xi32>
      %not3A = arith.constant dense<true> : vector<16xi1>
      %not3A_167 = arith.xori %ge3A_144, %not3A : vector<16xi1>
      tpu.vector_store_idx %arg10[%sub3A_166], %add3A_142 masked %not3A_167 : memref<1088xi32, #tpu.memory_space<vmem>>[vector<16xi32>], vector<16xi32>, vector<16xi1>
      %reduce_max3A = arith.constant true
      %reduce_max3A_168 = vector.broadcast %reduce_max3A : i1 to vector<16xi1>
      %reduce_max3A_169 = arith.constant -2147483648 : i32
      %reduce_max3A_170 = vector.broadcast %reduce_max3A_169 : i32 to vector<16xi32>
      %reduce_max3A_171 = arith.xori %cumsum3A_147, %reduce_max3A_170 : vector<16xi32>
      %reduce_max3A_172 = tpu.scan <max>, %reduce_max3A_171 masked %reduce_max3A_168 : vector<16xi32>, vector<16xi1> -> vector<16xi32>
      %reduce_max3A_173 = arith.xori %reduce_max3A_172, %reduce_max3A_170 : vector<16xi32>
      %reduce_max3A_174 = vector.extract %reduce_max3A_173[15] : i32 from vector<16xi32>
      %add3A_175 = arith.addi %scan3A_134, %reduce_max3A_174 : i32
      %reduce_max3A_176 = arith.constant true
      %reduce_max3A_177 = vector.broadcast %reduce_max3A_176 : i1 to vector<16xi1>
      %reduce_max3A_178 = arith.constant -2147483648 : i32
      %reduce_max3A_179 = vector.broadcast %reduce_max3A_178 : i32 to vector<16xi32>
      %reduce_max3A_180 = arith.xori %cumsum3A_161, %reduce_max3A_179 : vector<16xi32>
      %reduce_max3A_181 = tpu.scan <max>, %reduce_max3A_180 masked %reduce_max3A_177 : vector<16xi32>, vector<16xi1> -> vector<16xi32>
      %reduce_max3A_182 = arith.xori %reduce_max3A_181, %reduce_max3A_179 : vector<16xi32>
      %reduce_max3A_183 = vector.extract %reduce_max3A_182[15] : i32 from vector<16xi32>
      %add3A_184 = arith.addi %scan3A_135, %reduce_max3A_183 : i32
      scf.yield %add3A_175, %add3A_184 : i32, i32
    }
    %scan3A_14 = arith.constant 64 : i32
    %sub3A = arith.constant 1 : i32
    %sub3A_15 = arith.subi %scan3A_13#0, %sub3A : i32
    %max3A = arith.constant 0 : i32
    %max3A_16 = arith.maxsi %sub3A_15, %max3A : i32
    %broadcast_in_dim3A = vector.broadcast %max3A_16 : i32 to vector<16xi32>
    %gather3A = tpu.vector_load_idx %arg8[%broadcast_in_dim3A] : memref<1056xi32, #tpu.memory_space<vmem>>[vector<16xi32>], vector<16xi32>,
    %gather3A_17 = tpu.vector_load_idx %arg9[%broadcast_in_dim3A] : memref<1056xi32, #tpu.memory_space<vmem>>[vector<16xi32>], vector<16xi32>,
    %sub3A_18 = arith.constant 1 : i32
    %sub3A_19 = arith.subi %scan3A_13#1, %sub3A_18 : i32
    %max3A_20 = arith.constant 0 : i32
    %max3A_21 = arith.maxsi %sub3A_19, %max3A_20 : i32
    %broadcast_in_dim3A_22 = vector.broadcast %max3A_21 : i32 to vector<16xi32>
    %gather3A_23 = tpu.vector_load_idx %arg10[%broadcast_in_dim3A_22] : memref<1088xi32, #tpu.memory_space<vmem>>[vector<16xi32>], vector<16xi32>,
    %add3A_24 = arith.constant 0 : i32
    %add3A_25 = arith.addi %scan3A_13#0, %add3A_24 : i32
    %add3A_26 = vector.broadcast %add3A_25 : i32 to vector<16xi32>
    %add3A_27 = arith.addi %add3A_26, %iota3A : vector<16xi32>
    tpu.vector_store_idx %arg8[%add3A_27], %gather3A : memref<1056xi32, #tpu.memory_space<vmem>>[vector<16xi32>], vector<16xi32>,
    %add3A_28 = arith.constant 0 : i32
    %add3A_29 = arith.addi %scan3A_13#0, %add3A_28 : i32
    %add3A_30 = vector.broadcast %add3A_29 : i32 to vector<16xi32>
    %add3A_31 = arith.addi %add3A_30, %iota3A : vector<16xi32>
    tpu.vector_store_idx %arg9[%add3A_31], %gather3A_17 : memref<1056xi32, #tpu.memory_space<vmem>>[vector<16xi32>], vector<16xi32>,
    %add3A_32 = arith.constant 16 : i32
    %add3A_33 = arith.addi %scan3A_13#0, %add3A_32 : i32
    %add3A_34 = vector.broadcast %add3A_33 : i32 to vector<16xi32>
    %add3A_35 = arith.addi %add3A_34, %iota3A : vector<16xi32>
    tpu.vector_store_idx %arg8[%add3A_35], %gather3A : memref<1056xi32, #tpu.memory_space<vmem>>[vector<16xi32>], vector<16xi32>,
    %add3A_36 = arith.constant 16 : i32
    %add3A_37 = arith.addi %scan3A_13#0, %add3A_36 : i32
    %add3A_38 = vector.broadcast %add3A_37 : i32 to vector<16xi32>
    %add3A_39 = arith.addi %add3A_38, %iota3A : vector<16xi32>
    tpu.vector_store_idx %arg9[%add3A_39], %gather3A_17 : memref<1056xi32, #tpu.memory_space<vmem>>[vector<16xi32>], vector<16xi32>,
    %add3A_40 = arith.constant 0 : i32
    %add3A_41 = arith.addi %scan3A_13#1, %add3A_40 : i32
    %add3A_42 = vector.broadcast %add3A_41 : i32 to vector<16xi32>
    %add3A_43 = arith.addi %add3A_42, %iota3A : vector<16xi32>
    tpu.vector_store_idx %arg10[%add3A_43], %gather3A_23 : memref<1088xi32, #tpu.memory_space<vmem>>[vector<16xi32>], vector<16xi32>,
    %add3A_44 = arith.constant 16 : i32
    %add3A_45 = arith.addi %scan3A_13#1, %add3A_44 : i32
    %add3A_46 = vector.broadcast %add3A_45 : i32 to vector<16xi32>
    %add3A_47 = arith.addi %add3A_46, %iota3A : vector<16xi32>
    tpu.vector_store_idx %arg10[%add3A_47], %gather3A_23 : memref<1088xi32, #tpu.memory_space<vmem>>[vector<16xi32>], vector<16xi32>,
    %add3A_48 = arith.constant 32 : i32
    %add3A_49 = arith.addi %scan3A_13#1, %add3A_48 : i32
    %add3A_50 = vector.broadcast %add3A_49 : i32 to vector<16xi32>
    %add3A_51 = arith.addi %add3A_50, %iota3A : vector<16xi32>
    tpu.vector_store_idx %arg10[%add3A_51], %gather3A_23 : memref<1088xi32, #tpu.memory_space<vmem>>[vector<16xi32>], vector<16xi32>,
    %add3A_52 = arith.constant 48 : i32
    %add3A_53 = arith.addi %scan3A_13#1, %add3A_52 : i32
    %add3A_54 = vector.broadcast %add3A_53 : i32 to vector<16xi32>
    %add3A_55 = arith.addi %add3A_54, %iota3A : vector<16xi32>
    tpu.vector_store_idx %arg10[%add3A_55], %gather3A_23 : memref<1088xi32, #tpu.memory_space<vmem>>[vector<16xi32>], vector<16xi32>,
    %dma_wait3A = arith.constant 0 : i32
    %dma_wait3A_56 = arith.constant 0 : i32
    %dma_wait3A_57 = tpu.memref_slice %arg3[%add3A, %dma_wait3A, %dma_wait3A_56] : memref<32x64x768xf32, #tpu.memory_space<hbm>> -> memref<1x64x768xf32, #tpu.memory_space<hbm>>
    %dma_wait3A_58 = tpu.memref_squeeze %dma_wait3A_57 : memref<1x64x768xf32, #tpu.memory_space<hbm>> -> memref<64x768xf32, #tpu.memory_space<hbm>>
    %dma_wait3A_59 = arith.constant 0 : i32
    %dma_wait3A_60 = arith.constant 0 : i32
    %dma_wait3A_61 = tpu.memref_slice %arg3[%add3A, %dma_wait3A_59, %dma_wait3A_60] : memref<32x64x768xf32, #tpu.memory_space<hbm>> -> memref<1x64x768xf32, #tpu.memory_space<hbm>>
    %dma_wait3A_62 = tpu.memref_squeeze %dma_wait3A_61 : memref<1x64x768xf32, #tpu.memory_space<hbm>> -> memref<64x768xf32, #tpu.memory_space<hbm>>
    tpu.wait_dma2 semaphore(%arg16 : memref<!tpu.dma_semaphore, #tpu.memory_space<semaphore_mem>>) src(%dma_wait3A_62 : memref<64x768xf32, #tpu.memory_space<hbm>>) dst(%arg11 : memref<64x768xf32, #tpu.memory_space<vmem>>)
    %mul3A_63 = arith.constant 2 : i32
    %mul3A_64 = arith.muli %add3A, %mul3A_63 : i32
    %add3A_65 = arith.constant 0 : i32
    %add3A_66 = arith.addi %mul3A_64, %add3A_65 : i32
    %mul3A_67 = arith.constant 1024 : i32
    %mul3A_68 = arith.muli %add3A_66, %mul3A_67 : i32
    %scan3A_69 = arith.constant 0 : i32
    %scan3A_70 = arith.constant 16 : i32
    %scan3A_71 = arith.addi %scan3A_69, %scan3A_70 : i32
    %scan3A_72 = arith.constant 1 : i32
    scf.for %scan3A_133 = %scan3A_69 to %scan3A_71 step %scan3A_72  : i32 {
      %mul3A_134 = arith.constant 1 : i32
      %mul3A_135 = arith.muli %scan3A_133, %mul3A_134 : i32
      %add3A_136 = arith.constant 0 : i32
      %add3A_137 = arith.addi %add3A_136, %mul3A_135 : i32
      %mul3A_138 = arith.constant 64 : i32
      %mul3A_139 = arith.muli %add3A_137, %mul3A_138 : i32
      %lt3A = arith.cmpi slt, %mul3A_139, %scan3A_13#1 : i32
      %convert_element_type3A_140 = arith.extui %lt3A : i1 to i32
      %cond3A_141 = arith.constant 0 : i32
      %cond3A_142 = arith.cmpi ne, %convert_element_type3A_140, %cond3A_141 : i32
      scf.if %cond3A_142 {
        %add3A_143 = arith.constant 0 : i32
        %add3A_144 = arith.addi %add3A_143, %add3A_137 : i32
        %mul3A_145 = arith.constant 64 : i32
        %mul3A_146 = arith.muli %add3A_137, %mul3A_145 : i32
        %add3A_147 = arith.constant 0 : i32
        %add3A_148 = arith.addi %mul3A_146, %add3A_147 : i32
        %get3A = arith.index_cast %add3A_148 : i32 to index
        %get3A_149 = tpu.vector_load %arg10[%get3A] {strides = array<i32>} : memref<1088xi32, #tpu.memory_space<vmem>>, vector<16xi32>,
        %add3A_150 = vector.broadcast %mul3A_68 : i32 to vector<16xi32>
        %add3A_151 = arith.addi %get3A_149, %add3A_150 : vector<16xi32>
        %swap3A = arith.index_cast %add3A_144 : i32 to index
        %swap3A_152 = arith.constant 0 : index
        %swap3A_153 = tpu.vector_load %arg15[%swap3A, %swap3A_152] {strides = array<i32>} : memref<32x64xi32, #tpu.memory_space<vmem>>, vector<16xi32>,
        tpu.vector_store %arg15[%swap3A, %swap3A_152], %add3A_151 {strides = array<i32>} : memref<32x64xi32, #tpu.memory_space<vmem>>, vector<16xi32>,
        %mul3A_154 = arith.constant 64 : i32
        %mul3A_155 = arith.muli %add3A_137, %mul3A_154 : i32
        %add3A_156 = arith.constant 16 : i32
        %add3A_157 = arith.addi %mul3A_155, %add3A_156 : i32
        %get3A_158 = arith.index_cast %add3A_157 : i32 to index
        %get3A_159 = tpu.vector_load %arg10[%get3A_158] {strides = array<i32>} : memref<1088xi32, #tpu.memory_space<vmem>>, vector<16xi32>,
        %add3A_160 = vector.broadcast %mul3A_68 : i32 to vector<16xi32>
        %add3A_161 = arith.addi %get3A_159, %add3A_160 : vector<16xi32>
        %swap3A_162 = arith.index_cast %add3A_144 : i32 to index
        %swap3A_163 = arith.constant 16 : index
        %swap3A_164 = tpu.vector_load %arg15[%swap3A_162, %swap3A_163] {strides = array<i32>} : memref<32x64xi32, #tpu.memory_space<vmem>>, vector<16xi32>,
        tpu.vector_store %arg15[%swap3A_162, %swap3A_163], %add3A_161 {strides = array<i32>} : memref<32x64xi32, #tpu.memory_space<vmem>>, vector<16xi32>,
        %mul3A_165 = arith.constant 64 : i32
        %mul3A_166 = arith.muli %add3A_137, %mul3A_165 : i32
        %add3A_167 = arith.constant 32 : i32
        %add3A_168 = arith.addi %mul3A_166, %add3A_167 : i32
        %get3A_169 = arith.index_cast %add3A_168 : i32 to index
        %get3A_170 = tpu.vector_load %arg10[%get3A_169] {strides = array<i32>} : memref<1088xi32, #tpu.memory_space<vmem>>, vector<16xi32>,
        %add3A_171 = vector.broadcast %mul3A_68 : i32 to vector<16xi32>
        %add3A_172 = arith.addi %get3A_170, %add3A_171 : vector<16xi32>
        %swap3A_173 = arith.index_cast %add3A_144 : i32 to index
        %swap3A_174 = arith.constant 32 : index
        %swap3A_175 = tpu.vector_load %arg15[%swap3A_173, %swap3A_174] {strides = array<i32>} : memref<32x64xi32, #tpu.memory_space<vmem>>, vector<16xi32>,
        tpu.vector_store %arg15[%swap3A_173, %swap3A_174], %add3A_172 {strides = array<i32>} : memref<32x64xi32, #tpu.memory_space<vmem>>, vector<16xi32>,
        %mul3A_176 = arith.constant 64 : i32
        %mul3A_177 = arith.muli %add3A_137, %mul3A_176 : i32
        %add3A_178 = arith.constant 48 : i32
        %add3A_179 = arith.addi %mul3A_177, %add3A_178 : i32
        %get3A_180 = arith.index_cast %add3A_179 : i32 to index
        %get3A_181 = tpu.vector_load %arg10[%get3A_180] {strides = array<i32>} : memref<1088xi32, #tpu.memory_space<vmem>>, vector<16xi32>,
        %add3A_182 = vector.broadcast %mul3A_68 : i32 to vector<16xi32>
        %add3A_183 = arith.addi %get3A_181, %add3A_182 : vector<16xi32>
        %swap3A_184 = arith.index_cast %add3A_144 : i32 to index
        %swap3A_185 = arith.constant 48 : index
        %swap3A_186 = tpu.vector_load %arg15[%swap3A_184, %swap3A_185] {strides = array<i32>} : memref<32x64xi32, #tpu.memory_space<vmem>>, vector<16xi32>,
        tpu.vector_store %arg15[%swap3A_184, %swap3A_185], %add3A_183 {strides = array<i32>} : memref<32x64xi32, #tpu.memory_space<vmem>>, vector<16xi32>,
        %dma_start3A_187 = arith.constant 0 : i32
        %dma_start3A_188 = tpu.memref_slice %arg15[%add3A_144, %dma_start3A_187] : memref<32x64xi32, #tpu.memory_space<vmem>> -> memref<1x64xi32, #tpu.memory_space<vmem>>
        %dma_start3A_189 = tpu.memref_squeeze %dma_start3A_188 : memref<1x64xi32, #tpu.memory_space<vmem>> -> memref<64xi32, #tpu.memory_space<vmem>>
        %dma_start3A_190 = arith.constant 0 : i32
        %dma_start3A_191 = arith.constant 0 : i32
        %dma_start3A_192 = tpu.memref_slice %arg6[%dma_start3A_190, %dma_start3A_191] : memref<65536x768xf32, #tpu.memory_space<hbm>> -> memref<65536x768xf32, #tpu.memory_space<hbm>>
        tpu.enqueue_indirect_dma source(%arg11 : memref<64x768xf32, #tpu.memory_space<vmem>>) target(%dma_start3A_192 : memref<65536x768xf32, #tpu.memory_space<hbm>>) offsets(%dma_start3A_189 : memref<64xi32, #tpu.memory_space<vmem>>) semaphore(%arg16 : memref<!tpu.dma_semaphore, #tpu.memory_space<semaphore_mem>>)
      } else {
      }
    }
    %scan3A_73 = arith.constant 16 : i32
    %mul3A_74 = arith.constant 2 : i32
    %mul3A_75 = arith.muli %add3A, %mul3A_74 : i32
    %add3A_76 = arith.constant 1 : i32
    %add3A_77 = arith.addi %mul3A_75, %add3A_76 : i32
    %mul3A_78 = arith.constant 1024 : i32
    %mul3A_79 = arith.muli %add3A_77, %mul3A_78 : i32
    %scan3A_80 = arith.constant 0 : i32
    %scan3A_81 = arith.constant 16 : i32
    %scan3A_82 = arith.addi %scan3A_80, %scan3A_81 : i32
    %scan3A_83 = arith.constant 1 : i32
    scf.for %scan3A_133 = %scan3A_80 to %scan3A_82 step %scan3A_83  : i32 {
      %mul3A_134 = arith.constant 1 : i32
      %mul3A_135 = arith.muli %scan3A_133, %mul3A_134 : i32
      %add3A_136 = arith.constant 0 : i32
      %add3A_137 = arith.addi %add3A_136, %mul3A_135 : i32
      %mul3A_138 = arith.constant 64 : i32
      %mul3A_139 = arith.muli %add3A_137, %mul3A_138 : i32
      %lt3A = arith.cmpi slt, %mul3A_139, %scan3A_13#1 : i32
      %convert_element_type3A_140 = arith.extui %lt3A : i1 to i32
      %cond3A_141 = arith.constant 0 : i32
      %cond3A_142 = arith.cmpi ne, %convert_element_type3A_140, %cond3A_141 : i32
      scf.if %cond3A_142 {
        %add3A_143 = arith.constant 16 : i32
        %add3A_144 = arith.addi %add3A_143, %add3A_137 : i32
        %mul3A_145 = arith.constant 64 : i32
        %mul3A_146 = arith.muli %add3A_137, %mul3A_145 : i32
        %add3A_147 = arith.constant 0 : i32
        %add3A_148 = arith.addi %mul3A_146, %add3A_147 : i32
        %get3A = arith.index_cast %add3A_148 : i32 to index
        %get3A_149 = tpu.vector_load %arg10[%get3A] {strides = array<i32>} : memref<1088xi32, #tpu.memory_space<vmem>>, vector<16xi32>,
        %add3A_150 = vector.broadcast %mul3A_79 : i32 to vector<16xi32>
        %add3A_151 = arith.addi %get3A_149, %add3A_150 : vector<16xi32>
        %swap3A = arith.index_cast %add3A_144 : i32 to index
        %swap3A_152 = arith.constant 0 : index
        %swap3A_153 = tpu.vector_load %arg15[%swap3A, %swap3A_152] {strides = array<i32>} : memref<32x64xi32, #tpu.memory_space<vmem>>, vector<16xi32>,
        tpu.vector_store %arg15[%swap3A, %swap3A_152], %add3A_151 {strides = array<i32>} : memref<32x64xi32, #tpu.memory_space<vmem>>, vector<16xi32>,
        %mul3A_154 = arith.constant 64 : i32
        %mul3A_155 = arith.muli %add3A_137, %mul3A_154 : i32
        %add3A_156 = arith.constant 16 : i32
        %add3A_157 = arith.addi %mul3A_155, %add3A_156 : i32
        %get3A_158 = arith.index_cast %add3A_157 : i32 to index
        %get3A_159 = tpu.vector_load %arg10[%get3A_158] {strides = array<i32>} : memref<1088xi32, #tpu.memory_space<vmem>>, vector<16xi32>,
        %add3A_160 = vector.broadcast %mul3A_79 : i32 to vector<16xi32>
        %add3A_161 = arith.addi %get3A_159, %add3A_160 : vector<16xi32>
        %swap3A_162 = arith.index_cast %add3A_144 : i32 to index
        %swap3A_163 = arith.constant 16 : index
        %swap3A_164 = tpu.vector_load %arg15[%swap3A_162, %swap3A_163] {strides = array<i32>} : memref<32x64xi32, #tpu.memory_space<vmem>>, vector<16xi32>,
        tpu.vector_store %arg15[%swap3A_162, %swap3A_163], %add3A_161 {strides = array<i32>} : memref<32x64xi32, #tpu.memory_space<vmem>>, vector<16xi32>,
        %mul3A_165 = arith.constant 64 : i32
        %mul3A_166 = arith.muli %add3A_137, %mul3A_165 : i32
        %add3A_167 = arith.constant 32 : i32
        %add3A_168 = arith.addi %mul3A_166, %add3A_167 : i32
        %get3A_169 = arith.index_cast %add3A_168 : i32 to index
        %get3A_170 = tpu.vector_load %arg10[%get3A_169] {strides = array<i32>} : memref<1088xi32, #tpu.memory_space<vmem>>, vector<16xi32>,
        %add3A_171 = vector.broadcast %mul3A_79 : i32 to vector<16xi32>
        %add3A_172 = arith.addi %get3A_170, %add3A_171 : vector<16xi32>
        %swap3A_173 = arith.index_cast %add3A_144 : i32 to index
        %swap3A_174 = arith.constant 32 : index
        %swap3A_175 = tpu.vector_load %arg15[%swap3A_173, %swap3A_174] {strides = array<i32>} : memref<32x64xi32, #tpu.memory_space<vmem>>, vector<16xi32>,
        tpu.vector_store %arg15[%swap3A_173, %swap3A_174], %add3A_172 {strides = array<i32>} : memref<32x64xi32, #tpu.memory_space<vmem>>, vector<16xi32>,
        %mul3A_176 = arith.constant 64 : i32
        %mul3A_177 = arith.muli %add3A_137, %mul3A_176 : i32
        %add3A_178 = arith.constant 48 : i32
        %add3A_179 = arith.addi %mul3A_177, %add3A_178 : i32
        %get3A_180 = arith.index_cast %add3A_179 : i32 to index
        %get3A_181 = tpu.vector_load %arg10[%get3A_180] {strides = array<i32>} : memref<1088xi32, #tpu.memory_space<vmem>>, vector<16xi32>,
        %add3A_182 = vector.broadcast %mul3A_79 : i32 to vector<16xi32>
        %add3A_183 = arith.addi %get3A_181, %add3A_182 : vector<16xi32>
        %swap3A_184 = arith.index_cast %add3A_144 : i32 to index
        %swap3A_185 = arith.constant 48 : index
        %swap3A_186 = tpu.vector_load %arg15[%swap3A_184, %swap3A_185] {strides = array<i32>} : memref<32x64xi32, #tpu.memory_space<vmem>>, vector<16xi32>,
        tpu.vector_store %arg15[%swap3A_184, %swap3A_185], %add3A_183 {strides = array<i32>} : memref<32x64xi32, #tpu.memory_space<vmem>>, vector<16xi32>,
        %dma_start3A_187 = arith.constant 0 : i32
        %dma_start3A_188 = tpu.memref_slice %arg15[%add3A_144, %dma_start3A_187] : memref<32x64xi32, #tpu.memory_space<vmem>> -> memref<1x64xi32, #tpu.memory_space<vmem>>
        %dma_start3A_189 = tpu.memref_squeeze %dma_start3A_188 : memref<1x64xi32, #tpu.memory_space<vmem>> -> memref<64xi32, #tpu.memory_space<vmem>>
        %dma_start3A_190 = arith.constant 0 : i32
        %dma_start3A_191 = arith.constant 0 : i32
        %dma_start3A_192 = tpu.memref_slice %arg6[%dma_start3A_190, %dma_start3A_191] : memref<65536x768xf32, #tpu.memory_space<hbm>> -> memref<65536x768xf32, #tpu.memory_space<hbm>>
        tpu.enqueue_indirect_dma source(%arg11 : memref<64x768xf32, #tpu.memory_space<vmem>>) target(%dma_start3A_192 : memref<65536x768xf32, #tpu.memory_space<hbm>>) offsets(%dma_start3A_189 : memref<64xi32, #tpu.memory_space<vmem>>) semaphore(%arg16 : memref<!tpu.dma_semaphore, #tpu.memory_space<semaphore_mem>>)
      } else {
      }
    }
    %scan3A_84 = arith.constant 16 : i32
    %mul3A_85 = arith.constant 2 : i32
    %mul3A_86 = arith.muli %add3A, %mul3A_85 : i32
    %add3A_87 = arith.constant 0 : i32
    %add3A_88 = arith.addi %mul3A_86, %add3A_87 : i32
    %mul3A_89 = arith.constant 1024 : i32
    %mul3A_90 = arith.muli %add3A_88, %mul3A_89 : i32
    %mul3A_91 = arith.constant 256 : i32
    %mul3A_92 = arith.muli %add3A_88, %mul3A_91 : i32
    %scan3A_93 = arith.constant 0 : i32
    %scan3A_94 = arith.constant 16 : i32
    %scan3A_95 = arith.addi %scan3A_93, %scan3A_94 : i32
    %scan3A_96 = arith.constant 1 : i32
    scf.for %scan3A_133 = %scan3A_93 to %scan3A_95 step %scan3A_96  : i32 {
      %mul3A_134 = arith.constant 2 : i32
      %mul3A_135 = arith.muli %scan3A_133, %mul3A_134 : i32
      %add3A_136 = arith.constant 0 : i32
      %add3A_137 = arith.addi %add3A_136, %mul3A_135 : i32
      %add3A_138 = arith.constant 0 : i32
      %add3A_139 = arith.addi %add3A_137, %add3A_138 : i32
      %mul3A_140 = arith.constant 32 : i32
      %mul3A_141 = arith.muli %add3A_139, %mul3A_140 : i32
      %lt3A = arith.cmpi slt, %mul3A_141, %scan3A_13#0 : i32
      %ge3A = arith.constant 2 : i32
      %ge3A_142 = arith.cmpi sge, %add3A_139, %ge3A : i32
      %and3A = arith.andi %lt3A, %ge3A_142 : i1
      %convert_element_type3A_143 = arith.extui %and3A : i1 to i32
      %cond3A_144 = arith.constant 0 : i32
      %cond3A_145 = arith.cmpi ne, %convert_element_type3A_143, %cond3A_144 : i32
      scf.if %cond3A_145 {
        %dma_wait3A_169 = arith.constant 0 : i32
        %dma_wait3A_170 = arith.constant 0 : i32
        %dma_wait3A_171 = arith.constant 0 : i32
        %dma_wait3A_172 = tpu.memref_slice %arg12[%dma_wait3A_169, %dma_wait3A_170, %dma_wait3A_171] : memref<2x32x768xf32, #tpu.memory_space<vmem>> -> memref<1x32x768xf32, #tpu.memory_space<vmem>>
        %dma_wait3A_173 = tpu.memref_squeeze %dma_wait3A_172 : memref<1x32x768xf32, #tpu.memory_space<vmem>> -> memref<32x768xf32, #tpu.memory_space<vmem>>
        %dma_wait3A_174 = arith.constant 0 : i32
        %dma_wait3A_175 = arith.constant 0 : i32
        %dma_wait3A_176 = tpu.memref_slice %arg6[%dma_wait3A_174, %dma_wait3A_175] : memref<65536x768xf32, #tpu.memory_space<hbm>> -> memref<32x768xf32, #tpu.memory_space<hbm>>
        %dma_wait3A_177 = arith.constant 0 : i32
        %dma_wait3A_178 = arith.constant 0 : i32
        %dma_wait3A_179 = tpu.memref_slice %arg6[%dma_wait3A_177, %dma_wait3A_178] : memref<65536x768xf32, #tpu.memory_space<hbm>> -> memref<32x768xf32, #tpu.memory_space<hbm>>
        %dma_wait3A_180 = arith.constant 0 : i32
        %dma_wait3A_181 = arith.constant 0 : i32
        %dma_wait3A_182 = tpu.memref_slice %arg12[%dma_wait3A_169, %dma_wait3A_180, %dma_wait3A_181] : memref<2x32x768xf32, #tpu.memory_space<vmem>> -> memref<1x32x768xf32, #tpu.memory_space<vmem>>
        %dma_wait3A_183 = tpu.memref_squeeze %dma_wait3A_182 : memref<1x32x768xf32, #tpu.memory_space<vmem>> -> memref<32x768xf32, #tpu.memory_space<vmem>>
        tpu.wait_dma2 semaphore(%arg17 : memref<!tpu.dma_semaphore, #tpu.memory_space<semaphore_mem>>) src(%dma_wait3A_183 : memref<32x768xf32, #tpu.memory_space<vmem>>) dst(%dma_wait3A_179 : memref<32x768xf32, #tpu.memory_space<hbm>>)
      } else {
      }
      %mul3A_146 = arith.constant 32 : i32
      %mul3A_147 = arith.muli %add3A_139, %mul3A_146 : i32
      %lt3A_148 = arith.cmpi slt, %mul3A_147, %scan3A_13#0 : i32
      %convert_element_type3A_149 = arith.extui %lt3A_148 : i1 to i32
      %cond3A_150 = arith.constant 0 : i32
      %cond3A_151 = arith.cmpi ne, %convert_element_type3A_149, %cond3A_150 : i32
      scf.if %cond3A_151 {
        %add3A_169 = arith.constant 0 : i32
        %add3A_170 = arith.addi %add3A_169, %add3A_139 : i32
        %mul3A_171 = arith.constant 32 : i32
        %mul3A_172 = arith.muli %add3A_139, %mul3A_171 : i32
        %add3A_173 = arith.constant 0 : i32
        %add3A_174 = arith.addi %mul3A_172, %add3A_173 : i32
        %get3A = arith.index_cast %add3A_174 : i32 to index
        %get3A_175 = tpu.vector_load %arg9[%get3A] {strides = array<i32>} : memref<1056xi32, #tpu.memory_space<vmem>>, vector<16xi32>,
        %add3A_176 = vector.broadcast %mul3A_92 : i32 to vector<16xi32>
        %add3A_177 = arith.addi %get3A_175, %add3A_176 : vector<16xi32>
        %swap3A = arith.index_cast %add3A_170 : i32 to index
        %swap3A_178 = arith.constant 0 : index
        %swap3A_179 = tpu.vector_load %arg13[%swap3A, %swap3A_178] {strides = array<i32>} : memref<64x32xi32, #tpu.memory_space<vmem>>, vector<16xi32>,
        tpu.vector_store %arg13[%swap3A, %swap3A_178], %add3A_177 {strides = array<i32>} : memref<64x32xi32, #tpu.memory_space<vmem>>, vector<16xi32>,
        %get3A_180 = arith.index_cast %add3A_174 : i32 to index
        %get3A_181 = tpu.vector_load %arg8[%get3A_180] {strides = array<i32>} : memref<1056xi32, #tpu.memory_space<vmem>>, vector<16xi32>,
        %add3A_182 = vector.broadcast %mul3A_90 : i32 to vector<16xi32>
        %add3A_183 = arith.addi %get3A_181, %add3A_182 : vector<16xi32>
        %swap3A_184 = arith.index_cast %add3A_170 : i32 to index
        %swap3A_185 = arith.constant 0 : index
        %swap3A_186 = tpu.vector_load %arg14[%swap3A_184, %swap3A_185] {strides = array<i32>} : memref<64x32xi32, #tpu.memory_space<vmem>>, vector<16xi32>,
        tpu.vector_store %arg14[%swap3A_184, %swap3A_185], %add3A_183 {strides = array<i32>} : memref<64x32xi32, #tpu.memory_space<vmem>>, vector<16xi32>,
        %mul3A_187 = arith.constant 32 : i32
        %mul3A_188 = arith.muli %add3A_139, %mul3A_187 : i32
        %add3A_189 = arith.constant 16 : i32
        %add3A_190 = arith.addi %mul3A_188, %add3A_189 : i32
        %get3A_191 = arith.index_cast %add3A_190 : i32 to index
        %get3A_192 = tpu.vector_load %arg9[%get3A_191] {strides = array<i32>} : memref<1056xi32, #tpu.memory_space<vmem>>, vector<16xi32>,
        %add3A_193 = vector.broadcast %mul3A_92 : i32 to vector<16xi32>
        %add3A_194 = arith.addi %get3A_192, %add3A_193 : vector<16xi32>
        %swap3A_195 = arith.index_cast %add3A_170 : i32 to index
        %swap3A_196 = arith.constant 16 : index
        %swap3A_197 = tpu.vector_load %arg13[%swap3A_195, %swap3A_196] {strides = array<i32>} : memref<64x32xi32, #tpu.memory_space<vmem>>, vector<16xi32>,
        tpu.vector_store %arg13[%swap3A_195, %swap3A_196], %add3A_194 {strides = array<i32>} : memref<64x32xi32, #tpu.memory_space<vmem>>, vector<16xi32>,
        %get3A_198 = arith.index_cast %add3A_190 : i32 to index
        %get3A_199 = tpu.vector_load %arg8[%get3A_198] {strides = array<i32>} : memref<1056xi32, #tpu.memory_space<vmem>>, vector<16xi32>,
        %add3A_200 = vector.broadcast %mul3A_90 : i32 to vector<16xi32>
        %add3A_201 = arith.addi %get3A_199, %add3A_200 : vector<16xi32>
        %swap3A_202 = arith.index_cast %add3A_170 : i32 to index
        %swap3A_203 = arith.constant 16 : index
        %swap3A_204 = tpu.vector_load %arg14[%swap3A_202, %swap3A_203] {strides = array<i32>} : memref<64x32xi32, #tpu.memory_space<vmem>>, vector<16xi32>,
        tpu.vector_store %arg14[%swap3A_202, %swap3A_203], %add3A_201 {strides = array<i32>} : memref<64x32xi32, #tpu.memory_space<vmem>>, vector<16xi32>,
        %run_scoped3A = arith.constant 0 : i32
        "tpu.region"() ({
          %run_scoped3A_216 = tpu.sem_alloc : memref<!tpu.dma_semaphore, #tpu.memory_space<semaphore_mem>>
          %dma_start3A_217 = arith.constant 0 : i32
          %dma_start3A_218 = arith.constant 0 : i32
          %dma_start3A_219 = tpu.memref_slice %arg12[%run_scoped3A, %dma_start3A_217, %dma_start3A_218] : memref<2x32x768xf32, #tpu.memory_space<vmem>> -> memref<1x32x768xf32, #tpu.memory_space<vmem>>
          %dma_start3A_220 = tpu.memref_squeeze %dma_start3A_219 : memref<1x32x768xf32, #tpu.memory_space<vmem>> -> memref<32x768xf32, #tpu.memory_space<vmem>>
          %dma_start3A_221 = arith.constant 0 : i32
          %dma_start3A_222 = tpu.memref_slice %arg13[%add3A_170, %dma_start3A_221] : memref<64x32xi32, #tpu.memory_space<vmem>> -> memref<1x32xi32, #tpu.memory_space<vmem>>
          %dma_start3A_223 = tpu.memref_squeeze %dma_start3A_222 : memref<1x32xi32, #tpu.memory_space<vmem>> -> memref<32xi32, #tpu.memory_space<vmem>>
          %dma_start3A_224 = arith.constant 0 : i32
          %dma_start3A_225 = arith.constant 0 : i32
          %dma_start3A_226 = tpu.memref_slice %arg2[%dma_start3A_224, %dma_start3A_225] : memref<16384x768xf32, #tpu.memory_space<hbm>> -> memref<16384x768xf32, #tpu.memory_space<hbm>>
          tpu.enqueue_indirect_dma source(%dma_start3A_226 : memref<16384x768xf32, #tpu.memory_space<hbm>>) target(%dma_start3A_220 : memref<32x768xf32, #tpu.memory_space<vmem>>) offsets(%dma_start3A_223 : memref<32xi32, #tpu.memory_space<vmem>>) semaphore(%run_scoped3A_216 : memref<!tpu.dma_semaphore, #tpu.memory_space<semaphore_mem>>)
          %dma_wait3A_227 = arith.constant 0 : i32
          %dma_wait3A_228 = arith.constant 0 : i32
          %dma_wait3A_229 = tpu.memref_slice %arg12[%run_scoped3A, %dma_wait3A_227, %dma_wait3A_228] : memref<2x32x768xf32, #tpu.memory_space<vmem>> -> memref<1x32x768xf32, #tpu.memory_space<vmem>>
          %dma_wait3A_230 = tpu.memref_squeeze %dma_wait3A_229 : memref<1x32x768xf32, #tpu.memory_space<vmem>> -> memref<32x768xf32, #tpu.memory_space<vmem>>
          %dma_wait3A_231 = arith.constant 0 : i32
          %dma_wait3A_232 = tpu.memref_slice %arg13[%add3A_170, %dma_wait3A_231] : memref<64x32xi32, #tpu.memory_space<vmem>> -> memref<1x32xi32, #tpu.memory_space<vmem>>
          %dma_wait3A_233 = tpu.memref_squeeze %dma_wait3A_232 : memref<1x32xi32, #tpu.memory_space<vmem>> -> memref<32xi32, #tpu.memory_space<vmem>>
          %dma_wait3A_234 = arith.constant 0 : i32
          %dma_wait3A_235 = arith.constant 0 : i32
          %dma_wait3A_236 = tpu.memref_slice %arg2[%dma_wait3A_234, %dma_wait3A_235] : memref<16384x768xf32, #tpu.memory_space<hbm>> -> memref<16384x768xf32, #tpu.memory_space<hbm>>
          tpu.wait_indirect_dma semaphore(%run_scoped3A_216 : memref<!tpu.dma_semaphore, #tpu.memory_space<semaphore_mem>>) src(%dma_wait3A_236 : memref<16384x768xf32, #tpu.memory_space<hbm>>) dst(%dma_wait3A_230 : memref<32x768xf32, #tpu.memory_space<vmem>>)
          tpu.yield
        }) : () -> ()
        %dma_start3A_205 = arith.constant 0 : i32
        %dma_start3A_206 = arith.constant 0 : i32
        %dma_start3A_207 = arith.constant 0 : i32
        %dma_start3A_208 = tpu.memref_slice %arg12[%dma_start3A_205, %dma_start3A_206, %dma_start3A_207] : memref<2x32x768xf32, #tpu.memory_space<vmem>> -> memref<1x32x768xf32, #tpu.memory_space<vmem>>
        %dma_start3A_209 = tpu.memref_squeeze %dma_start3A_208 : memref<1x32x768xf32, #tpu.memory_space<vmem>> -> memref<32x768xf32, #tpu.memory_space<vmem>>
        %dma_start3A_210 = arith.constant 0 : i32
        %dma_start3A_211 = tpu.memref_slice %arg14[%add3A_170, %dma_start3A_210] : memref<64x32xi32, #tpu.memory_space<vmem>> -> memref<1x32xi32, #tpu.memory_space<vmem>>
        %dma_start3A_212 = tpu.memref_squeeze %dma_start3A_211 : memref<1x32xi32, #tpu.memory_space<vmem>> -> memref<32xi32, #tpu.memory_space<vmem>>
        %dma_start3A_213 = arith.constant 0 : i32
        %dma_start3A_214 = arith.constant 0 : i32
        %dma_start3A_215 = tpu.memref_slice %arg6[%dma_start3A_213, %dma_start3A_214] : memref<65536x768xf32, #tpu.memory_space<hbm>> -> memref<65536x768xf32, #tpu.memory_space<hbm>>
        tpu.enqueue_indirect_dma source(%dma_start3A_209 : memref<32x768xf32, #tpu.memory_space<vmem>>) target(%dma_start3A_215 : memref<65536x768xf32, #tpu.memory_space<hbm>>) offsets(%dma_start3A_212 : memref<32xi32, #tpu.memory_space<vmem>>) semaphore(%arg17 : memref<!tpu.dma_semaphore, #tpu.memory_space<semaphore_mem>>)
      } else {
      }
      %add3A_152 = arith.constant 1 : i32
      %add3A_153 = arith.addi %add3A_137, %add3A_152 : i32
      %mul3A_154 = arith.constant 32 : i32
      %mul3A_155 = arith.muli %add3A_153, %mul3A_154 : i32
      %lt3A_156 = arith.cmpi slt, %mul3A_155, %scan3A_13#0 : i32
      %ge3A_157 = arith.constant 2 : i32
      %ge3A_158 = arith.cmpi sge, %add3A_153, %ge3A_157 : i32
      %and3A_159 = arith.andi %lt3A_156, %ge3A_158 : i1
      %convert_element_type3A_160 = arith.extui %and3A_159 : i1 to i32
      %cond3A_161 = arith.constant 0 : i32
      %cond3A_162 = arith.cmpi ne, %convert_element_type3A_160, %cond3A_161 : i32
      scf.if %cond3A_162 {
        %dma_wait3A_169 = arith.constant 1 : i32
        %dma_wait3A_170 = arith.constant 0 : i32
        %dma_wait3A_171 = arith.constant 0 : i32
        %dma_wait3A_172 = tpu.memref_slice %arg12[%dma_wait3A_169, %dma_wait3A_170, %dma_wait3A_171] : memref<2x32x768xf32, #tpu.memory_space<vmem>> -> memref<1x32x768xf32, #tpu.memory_space<vmem>>
        %dma_wait3A_173 = tpu.memref_squeeze %dma_wait3A_172 : memref<1x32x768xf32, #tpu.memory_space<vmem>> -> memref<32x768xf32, #tpu.memory_space<vmem>>
        %dma_wait3A_174 = arith.constant 0 : i32
        %dma_wait3A_175 = arith.constant 0 : i32
        %dma_wait3A_176 = tpu.memref_slice %arg6[%dma_wait3A_174, %dma_wait3A_175] : memref<65536x768xf32, #tpu.memory_space<hbm>> -> memref<32x768xf32, #tpu.memory_space<hbm>>
        %dma_wait3A_177 = arith.constant 0 : i32
        %dma_wait3A_178 = arith.constant 0 : i32
        %dma_wait3A_179 = tpu.memref_slice %arg6[%dma_wait3A_177, %dma_wait3A_178] : memref<65536x768xf32, #tpu.memory_space<hbm>> -> memref<32x768xf32, #tpu.memory_space<hbm>>
        %dma_wait3A_180 = arith.constant 0 : i32
        %dma_wait3A_181 = arith.constant 0 : i32
        %dma_wait3A_182 = tpu.memref_slice %arg12[%dma_wait3A_169, %dma_wait3A_180, %dma_wait3A_181] : memref<2x32x768xf32, #tpu.memory_space<vmem>> -> memref<1x32x768xf32, #tpu.memory_space<vmem>>
        %dma_wait3A_183 = tpu.memref_squeeze %dma_wait3A_182 : memref<1x32x768xf32, #tpu.memory_space<vmem>> -> memref<32x768xf32, #tpu.memory_space<vmem>>
        tpu.wait_dma2 semaphore(%arg18 : memref<!tpu.dma_semaphore, #tpu.memory_space<semaphore_mem>>) src(%dma_wait3A_183 : memref<32x768xf32, #tpu.memory_space<vmem>>) dst(%dma_wait3A_179 : memref<32x768xf32, #tpu.memory_space<hbm>>)
      } else {
      }
      %mul3A_163 = arith.constant 32 : i32
      %mul3A_164 = arith.muli %add3A_153, %mul3A_163 : i32
      %lt3A_165 = arith.cmpi slt, %mul3A_164, %scan3A_13#0 : i32
      %convert_element_type3A_166 = arith.extui %lt3A_165 : i1 to i32
      %cond3A_167 = arith.constant 0 : i32
      %cond3A_168 = arith.cmpi ne, %convert_element_type3A_166, %cond3A_167 : i32
      scf.if %cond3A_168 {
        %add3A_169 = arith.constant 0 : i32
        %add3A_170 = arith.addi %add3A_169, %add3A_153 : i32
        %mul3A_171 = arith.constant 32 : i32
        %mul3A_172 = arith.muli %add3A_153, %mul3A_171 : i32
        %add3A_173 = arith.constant 0 : i32
        %add3A_174 = arith.addi %mul3A_172, %add3A_173 : i32
        %get3A = arith.index_cast %add3A_174 : i32 to index
        %get3A_175 = tpu.vector_load %arg9[%get3A] {strides = array<i32>} : memref<1056xi32, #tpu.memory_space<vmem>>, vector<16xi32>,
        %add3A_176 = vector.broadcast %mul3A_92 : i32 to vector<16xi32>
        %add3A_177 = arith.addi %get3A_175, %add3A_176 : vector<16xi32>
        %swap3A = arith.index_cast %add3A_170 : i32 to index
        %swap3A_178 = arith.constant 0 : index
        %swap3A_179 = tpu.vector_load %arg13[%swap3A, %swap3A_178] {strides = array<i32>} : memref<64x32xi32, #tpu.memory_space<vmem>>, vector<16xi32>,
        tpu.vector_store %arg13[%swap3A, %swap3A_178], %add3A_177 {strides = array<i32>} : memref<64x32xi32, #tpu.memory_space<vmem>>, vector<16xi32>,
        %get3A_180 = arith.index_cast %add3A_174 : i32 to index
        %get3A_181 = tpu.vector_load %arg8[%get3A_180] {strides = array<i32>} : memref<1056xi32, #tpu.memory_space<vmem>>, vector<16xi32>,
        %add3A_182 = vector.broadcast %mul3A_90 : i32 to vector<16xi32>
        %add3A_183 = arith.addi %get3A_181, %add3A_182 : vector<16xi32>
        %swap3A_184 = arith.index_cast %add3A_170 : i32 to index
        %swap3A_185 = arith.constant 0 : index
        %swap3A_186 = tpu.vector_load %arg14[%swap3A_184, %swap3A_185] {strides = array<i32>} : memref<64x32xi32, #tpu.memory_space<vmem>>, vector<16xi32>,
        tpu.vector_store %arg14[%swap3A_184, %swap3A_185], %add3A_183 {strides = array<i32>} : memref<64x32xi32, #tpu.memory_space<vmem>>, vector<16xi32>,
        %mul3A_187 = arith.constant 32 : i32
        %mul3A_188 = arith.muli %add3A_153, %mul3A_187 : i32
        %add3A_189 = arith.constant 16 : i32
        %add3A_190 = arith.addi %mul3A_188, %add3A_189 : i32
        %get3A_191 = arith.index_cast %add3A_190 : i32 to index
        %get3A_192 = tpu.vector_load %arg9[%get3A_191] {strides = array<i32>} : memref<1056xi32, #tpu.memory_space<vmem>>, vector<16xi32>,
        %add3A_193 = vector.broadcast %mul3A_92 : i32 to vector<16xi32>
        %add3A_194 = arith.addi %get3A_192, %add3A_193 : vector<16xi32>
        %swap3A_195 = arith.index_cast %add3A_170 : i32 to index
        %swap3A_196 = arith.constant 16 : index
        %swap3A_197 = tpu.vector_load %arg13[%swap3A_195, %swap3A_196] {strides = array<i32>} : memref<64x32xi32, #tpu.memory_space<vmem>>, vector<16xi32>,
        tpu.vector_store %arg13[%swap3A_195, %swap3A_196], %add3A_194 {strides = array<i32>} : memref<64x32xi32, #tpu.memory_space<vmem>>, vector<16xi32>,
        %get3A_198 = arith.index_cast %add3A_190 : i32 to index
        %get3A_199 = tpu.vector_load %arg8[%get3A_198] {strides = array<i32>} : memref<1056xi32, #tpu.memory_space<vmem>>, vector<16xi32>,
        %add3A_200 = vector.broadcast %mul3A_90 : i32 to vector<16xi32>
        %add3A_201 = arith.addi %get3A_199, %add3A_200 : vector<16xi32>
        %swap3A_202 = arith.index_cast %add3A_170 : i32 to index
        %swap3A_203 = arith.constant 16 : index
        %swap3A_204 = tpu.vector_load %arg14[%swap3A_202, %swap3A_203] {strides = array<i32>} : memref<64x32xi32, #tpu.memory_space<vmem>>, vector<16xi32>,
        tpu.vector_store %arg14[%swap3A_202, %swap3A_203], %add3A_201 {strides = array<i32>} : memref<64x32xi32, #tpu.memory_space<vmem>>, vector<16xi32>,
        %run_scoped3A = arith.constant 1 : i32
        "tpu.region"() ({
          %run_scoped3A_216 = tpu.sem_alloc : memref<!tpu.dma_semaphore, #tpu.memory_space<semaphore_mem>>
          %dma_start3A_217 = arith.constant 0 : i32
          %dma_start3A_218 = arith.constant 0 : i32
          %dma_start3A_219 = tpu.memref_slice %arg12[%run_scoped3A, %dma_start3A_217, %dma_start3A_218] : memref<2x32x768xf32, #tpu.memory_space<vmem>> -> memref<1x32x768xf32, #tpu.memory_space<vmem>>
          %dma_start3A_220 = tpu.memref_squeeze %dma_start3A_219 : memref<1x32x768xf32, #tpu.memory_space<vmem>> -> memref<32x768xf32, #tpu.memory_space<vmem>>
          %dma_start3A_221 = arith.constant 0 : i32
          %dma_start3A_222 = tpu.memref_slice %arg13[%add3A_170, %dma_start3A_221] : memref<64x32xi32, #tpu.memory_space<vmem>> -> memref<1x32xi32, #tpu.memory_space<vmem>>
          %dma_start3A_223 = tpu.memref_squeeze %dma_start3A_222 : memref<1x32xi32, #tpu.memory_space<vmem>> -> memref<32xi32, #tpu.memory_space<vmem>>
          %dma_start3A_224 = arith.constant 0 : i32
          %dma_start3A_225 = arith.constant 0 : i32
          %dma_start3A_226 = tpu.memref_slice %arg2[%dma_start3A_224, %dma_start3A_225] : memref<16384x768xf32, #tpu.memory_space<hbm>> -> memref<16384x768xf32, #tpu.memory_space<hbm>>
          tpu.enqueue_indirect_dma source(%dma_start3A_226 : memref<16384x768xf32, #tpu.memory_space<hbm>>) target(%dma_start3A_220 : memref<32x768xf32, #tpu.memory_space<vmem>>) offsets(%dma_start3A_223 : memref<32xi32, #tpu.memory_space<vmem>>) semaphore(%run_scoped3A_216 : memref<!tpu.dma_semaphore, #tpu.memory_space<semaphore_mem>>)
          %dma_wait3A_227 = arith.constant 0 : i32
          %dma_wait3A_228 = arith.constant 0 : i32
          %dma_wait3A_229 = tpu.memref_slice %arg12[%run_scoped3A, %dma_wait3A_227, %dma_wait3A_228] : memref<2x32x768xf32, #tpu.memory_space<vmem>> -> memref<1x32x768xf32, #tpu.memory_space<vmem>>
          %dma_wait3A_230 = tpu.memref_squeeze %dma_wait3A_229 : memref<1x32x768xf32, #tpu.memory_space<vmem>> -> memref<32x768xf32, #tpu.memory_space<vmem>>
          %dma_wait3A_231 = arith.constant 0 : i32
          %dma_wait3A_232 = tpu.memref_slice %arg13[%add3A_170, %dma_wait3A_231] : memref<64x32xi32, #tpu.memory_space<vmem>> -> memref<1x32xi32, #tpu.memory_space<vmem>>
          %dma_wait3A_233 = tpu.memref_squeeze %dma_wait3A_232 : memref<1x32xi32, #tpu.memory_space<vmem>> -> memref<32xi32, #tpu.memory_space<vmem>>
          %dma_wait3A_234 = arith.constant 0 : i32
          %dma_wait3A_235 = arith.constant 0 : i32
          %dma_wait3A_236 = tpu.memref_slice %arg2[%dma_wait3A_234, %dma_wait3A_235] : memref<16384x768xf32, #tpu.memory_space<hbm>> -> memref<16384x768xf32, #tpu.memory_space<hbm>>
          tpu.wait_indirect_dma semaphore(%run_scoped3A_216 : memref<!tpu.dma_semaphore, #tpu.memory_space<semaphore_mem>>) src(%dma_wait3A_236 : memref<16384x768xf32, #tpu.memory_space<hbm>>) dst(%dma_wait3A_230 : memref<32x768xf32, #tpu.memory_space<vmem>>)
          tpu.yield
        }) : () -> ()
        %dma_start3A_205 = arith.constant 1 : i32
        %dma_start3A_206 = arith.constant 0 : i32
        %dma_start3A_207 = arith.constant 0 : i32
        %dma_start3A_208 = tpu.memref_slice %arg12[%dma_start3A_205, %dma_start3A_206, %dma_start3A_207] : memref<2x32x768xf32, #tpu.memory_space<vmem>> -> memref<1x32x768xf32, #tpu.memory_space<vmem>>
        %dma_start3A_209 = tpu.memref_squeeze %dma_start3A_208 : memref<1x32x768xf32, #tpu.memory_space<vmem>> -> memref<32x768xf32, #tpu.memory_space<vmem>>
        %dma_start3A_210 = arith.constant 0 : i32
        %dma_start3A_211 = tpu.memref_slice %arg14[%add3A_170, %dma_start3A_210] : memref<64x32xi32, #tpu.memory_space<vmem>> -> memref<1x32xi32, #tpu.memory_space<vmem>>
        %dma_start3A_212 = tpu.memref_squeeze %dma_start3A_211 : memref<1x32xi32, #tpu.memory_space<vmem>> -> memref<32xi32, #tpu.memory_space<vmem>>
        %dma_start3A_213 = arith.constant 0 : i32
        %dma_start3A_214 = arith.constant 0 : i32
        %dma_start3A_215 = tpu.memref_slice %arg6[%dma_start3A_213, %dma_start3A_214] : memref<65536x768xf32, #tpu.memory_space<hbm>> -> memref<65536x768xf32, #tpu.memory_space<hbm>>
        tpu.enqueue_indirect_dma source(%dma_start3A_209 : memref<32x768xf32, #tpu.memory_space<vmem>>) target(%dma_start3A_215 : memref<65536x768xf32, #tpu.memory_space<hbm>>) offsets(%dma_start3A_212 : memref<32xi32, #tpu.memory_space<vmem>>) semaphore(%arg18 : memref<!tpu.dma_semaphore, #tpu.memory_space<semaphore_mem>>)
      } else {
      }
    }
    %scan3A_97 = arith.constant 16 : i32
    %gt3A = arith.constant 0 : i32
    %gt3A_98 = arith.cmpi sgt, %scan3A_13#0, %gt3A : i32
    %convert_element_type3A = arith.extui %gt3A_98 : i1 to i32
    %cond3A = arith.constant 0 : i32
    %cond3A_99 = arith.cmpi ne, %convert_element_type3A, %cond3A : i32
    scf.if %cond3A_99 {
      %dma_wait3A_133 = arith.constant 0 : i32
      %dma_wait3A_134 = arith.constant 0 : i32
      %dma_wait3A_135 = arith.constant 0 : i32
      %dma_wait3A_136 = tpu.memref_slice %arg12[%dma_wait3A_133, %dma_wait3A_134, %dma_wait3A_135] : memref<2x32x768xf32, #tpu.memory_space<vmem>> -> memref<1x32x768xf32, #tpu.memory_space<vmem>>
      %dma_wait3A_137 = tpu.memref_squeeze %dma_wait3A_136 : memref<1x32x768xf32, #tpu.memory_space<vmem>> -> memref<32x768xf32, #tpu.memory_space<vmem>>
      %dma_wait3A_138 = arith.constant 0 : i32
      %dma_wait3A_139 = arith.constant 0 : i32
      %dma_wait3A_140 = tpu.memref_slice %arg6[%dma_wait3A_138, %dma_wait3A_139] : memref<65536x768xf32, #tpu.memory_space<hbm>> -> memref<32x768xf32, #tpu.memory_space<hbm>>
      %dma_wait3A_141 = arith.constant 0 : i32
      %dma_wait3A_142 = arith.constant 0 : i32
      %dma_wait3A_143 = tpu.memref_slice %arg6[%dma_wait3A_141, %dma_wait3A_142] : memref<65536x768xf32, #tpu.memory_space<hbm>> -> memref<32x768xf32, #tpu.memory_space<hbm>>
      %dma_wait3A_144 = arith.constant 0 : i32
      %dma_wait3A_145 = arith.constant 0 : i32
      %dma_wait3A_146 = tpu.memref_slice %arg12[%dma_wait3A_133, %dma_wait3A_144, %dma_wait3A_145] : memref<2x32x768xf32, #tpu.memory_space<vmem>> -> memref<1x32x768xf32, #tpu.memory_space<vmem>>
      %dma_wait3A_147 = tpu.memref_squeeze %dma_wait3A_146 : memref<1x32x768xf32, #tpu.memory_space<vmem>> -> memref<32x768xf32, #tpu.memory_space<vmem>>
      tpu.wait_dma2 semaphore(%arg17 : memref<!tpu.dma_semaphore, #tpu.memory_space<semaphore_mem>>) src(%dma_wait3A_147 : memref<32x768xf32, #tpu.memory_space<vmem>>) dst(%dma_wait3A_143 : memref<32x768xf32, #tpu.memory_space<hbm>>)
    } else {
    }
    %gt3A_100 = arith.constant 32 : i32
    %gt3A_101 = arith.cmpi sgt, %scan3A_13#0, %gt3A_100 : i32
    %convert_element_type3A_102 = arith.extui %gt3A_101 : i1 to i32
    %cond3A_103 = arith.constant 0 : i32
    %cond3A_104 = arith.cmpi ne, %convert_element_type3A_102, %cond3A_103 : i32
    scf.if %cond3A_104 {
      %dma_wait3A_133 = arith.constant 1 : i32
      %dma_wait3A_134 = arith.constant 0 : i32
      %dma_wait3A_135 = arith.constant 0 : i32
      %dma_wait3A_136 = tpu.memref_slice %arg12[%dma_wait3A_133, %dma_wait3A_134, %dma_wait3A_135] : memref<2x32x768xf32, #tpu.memory_space<vmem>> -> memref<1x32x768xf32, #tpu.memory_space<vmem>>
      %dma_wait3A_137 = tpu.memref_squeeze %dma_wait3A_136 : memref<1x32x768xf32, #tpu.memory_space<vmem>> -> memref<32x768xf32, #tpu.memory_space<vmem>>
      %dma_wait3A_138 = arith.constant 0 : i32
      %dma_wait3A_139 = arith.constant 0 : i32
      %dma_wait3A_140 = tpu.memref_slice %arg6[%dma_wait3A_138, %dma_wait3A_139] : memref<65536x768xf32, #tpu.memory_space<hbm>> -> memref<32x768xf32, #tpu.memory_space<hbm>>
      %dma_wait3A_141 = arith.constant 0 : i32
      %dma_wait3A_142 = arith.constant 0 : i32
      %dma_wait3A_143 = tpu.memref_slice %arg6[%dma_wait3A_141, %dma_wait3A_142] : memref<65536x768xf32, #tpu.memory_space<hbm>> -> memref<32x768xf32, #tpu.memory_space<hbm>>
      %dma_wait3A_144 = arith.constant 0 : i32
      %dma_wait3A_145 = arith.constant 0 : i32
      %dma_wait3A_146 = tpu.memref_slice %arg12[%dma_wait3A_133, %dma_wait3A_144, %dma_wait3A_145] : memref<2x32x768xf32, #tpu.memory_space<vmem>> -> memref<1x32x768xf32, #tpu.memory_space<vmem>>
      %dma_wait3A_147 = tpu.memref_squeeze %dma_wait3A_146 : memref<1x32x768xf32, #tpu.memory_space<vmem>> -> memref<32x768xf32, #tpu.memory_space<vmem>>
      tpu.wait_dma2 semaphore(%arg18 : memref<!tpu.dma_semaphore, #tpu.memory_space<semaphore_mem>>) src(%dma_wait3A_147 : memref<32x768xf32, #tpu.memory_space<vmem>>) dst(%dma_wait3A_143 : memref<32x768xf32, #tpu.memory_space<hbm>>)
    } else {
    }
    %mul3A_105 = arith.constant 2 : i32
    %mul3A_106 = arith.muli %add3A, %mul3A_105 : i32
    %add3A_107 = arith.constant 1 : i32
    %add3A_108 = arith.addi %mul3A_106, %add3A_107 : i32
    %mul3A_109 = arith.constant 1024 : i32
    %mul3A_110 = arith.muli %add3A_108, %mul3A_109 : i32
    %mul3A_111 = arith.constant 256 : i32
    %mul3A_112 = arith.muli %add3A_108, %mul3A_111 : i32
    %scan3A_113 = arith.constant 0 : i32
    %scan3A_114 = arith.constant 16 : i32
    %scan3A_115 = arith.addi %scan3A_113, %scan3A_114 : i32
    %scan3A_116 = arith.constant 1 : i32
    scf.for %scan3A_133 = %scan3A_113 to %scan3A_115 step %scan3A_116  : i32 {
      %mul3A_134 = arith.constant 2 : i32
      %mul3A_135 = arith.muli %scan3A_133, %mul3A_134 : i32
      %add3A_136 = arith.constant 0 : i32
      %add3A_137 = arith.addi %add3A_136, %mul3A_135 : i32
      %add3A_138 = arith.constant 0 : i32
      %add3A_139 = arith.addi %add3A_137, %add3A_138 : i32
      %mul3A_140 = arith.constant 32 : i32
      %mul3A_141 = arith.muli %add3A_139, %mul3A_140 : i32
      %lt3A = arith.cmpi slt, %mul3A_141, %scan3A_13#0 : i32
      %ge3A = arith.constant 2 : i32
      %ge3A_142 = arith.cmpi sge, %add3A_139, %ge3A : i32
      %and3A = arith.andi %lt3A, %ge3A_142 : i1
      %convert_element_type3A_143 = arith.extui %and3A : i1 to i32
      %cond3A_144 = arith.constant 0 : i32
      %cond3A_145 = arith.cmpi ne, %convert_element_type3A_143, %cond3A_144 : i32
      scf.if %cond3A_145 {
        %dma_wait3A_169 = arith.constant 0 : i32
        %dma_wait3A_170 = arith.constant 0 : i32
        %dma_wait3A_171 = arith.constant 0 : i32
        %dma_wait3A_172 = tpu.memref_slice %arg12[%dma_wait3A_169, %dma_wait3A_170, %dma_wait3A_171] : memref<2x32x768xf32, #tpu.memory_space<vmem>> -> memref<1x32x768xf32, #tpu.memory_space<vmem>>
        %dma_wait3A_173 = tpu.memref_squeeze %dma_wait3A_172 : memref<1x32x768xf32, #tpu.memory_space<vmem>> -> memref<32x768xf32, #tpu.memory_space<vmem>>
        %dma_wait3A_174 = arith.constant 0 : i32
        %dma_wait3A_175 = arith.constant 0 : i32
        %dma_wait3A_176 = tpu.memref_slice %arg6[%dma_wait3A_174, %dma_wait3A_175] : memref<65536x768xf32, #tpu.memory_space<hbm>> -> memref<32x768xf32, #tpu.memory_space<hbm>>
        %dma_wait3A_177 = arith.constant 0 : i32
        %dma_wait3A_178 = arith.constant 0 : i32
        %dma_wait3A_179 = tpu.memref_slice %arg6[%dma_wait3A_177, %dma_wait3A_178] : memref<65536x768xf32, #tpu.memory_space<hbm>> -> memref<32x768xf32, #tpu.memory_space<hbm>>
        %dma_wait3A_180 = arith.constant 0 : i32
        %dma_wait3A_181 = arith.constant 0 : i32
        %dma_wait3A_182 = tpu.memref_slice %arg12[%dma_wait3A_169, %dma_wait3A_180, %dma_wait3A_181] : memref<2x32x768xf32, #tpu.memory_space<vmem>> -> memref<1x32x768xf32, #tpu.memory_space<vmem>>
        %dma_wait3A_183 = tpu.memref_squeeze %dma_wait3A_182 : memref<1x32x768xf32, #tpu.memory_space<vmem>> -> memref<32x768xf32, #tpu.memory_space<vmem>>
        tpu.wait_dma2 semaphore(%arg17 : memref<!tpu.dma_semaphore, #tpu.memory_space<semaphore_mem>>) src(%dma_wait3A_183 : memref<32x768xf32, #tpu.memory_space<vmem>>) dst(%dma_wait3A_179 : memref<32x768xf32, #tpu.memory_space<hbm>>)
      } else {
      }
      %mul3A_146 = arith.constant 32 : i32
      %mul3A_147 = arith.muli %add3A_139, %mul3A_146 : i32
      %lt3A_148 = arith.cmpi slt, %mul3A_147, %scan3A_13#0 : i32
      %convert_element_type3A_149 = arith.extui %lt3A_148 : i1 to i32
      %cond3A_150 = arith.constant 0 : i32
      %cond3A_151 = arith.cmpi ne, %convert_element_type3A_149, %cond3A_150 : i32
      scf.if %cond3A_151 {
        %add3A_169 = arith.constant 32 : i32
        %add3A_170 = arith.addi %add3A_169, %add3A_139 : i32
        %mul3A_171 = arith.constant 32 : i32
        %mul3A_172 = arith.muli %add3A_139, %mul3A_171 : i32
        %add3A_173 = arith.constant 0 : i32
        %add3A_174 = arith.addi %mul3A_172, %add3A_173 : i32
        %get3A = arith.index_cast %add3A_174 : i32 to index
        %get3A_175 = tpu.vector_load %arg9[%get3A] {strides = array<i32>} : memref<1056xi32, #tpu.memory_space<vmem>>, vector<16xi32>,
        %add3A_176 = vector.broadcast %mul3A_112 : i32 to vector<16xi32>
        %add3A_177 = arith.addi %get3A_175, %add3A_176 : vector<16xi32>
        %swap3A = arith.index_cast %add3A_170 : i32 to index
        %swap3A_178 = arith.constant 0 : index
        %swap3A_179 = tpu.vector_load %arg13[%swap3A, %swap3A_178] {strides = array<i32>} : memref<64x32xi32, #tpu.memory_space<vmem>>, vector<16xi32>,
        tpu.vector_store %arg13[%swap3A, %swap3A_178], %add3A_177 {strides = array<i32>} : memref<64x32xi32, #tpu.memory_space<vmem>>, vector<16xi32>,
        %get3A_180 = arith.index_cast %add3A_174 : i32 to index
        %get3A_181 = tpu.vector_load %arg8[%get3A_180] {strides = array<i32>} : memref<1056xi32, #tpu.memory_space<vmem>>, vector<16xi32>,
        %add3A_182 = vector.broadcast %mul3A_110 : i32 to vector<16xi32>
        %add3A_183 = arith.addi %get3A_181, %add3A_182 : vector<16xi32>
        %swap3A_184 = arith.index_cast %add3A_170 : i32 to index
        %swap3A_185 = arith.constant 0 : index
        %swap3A_186 = tpu.vector_load %arg14[%swap3A_184, %swap3A_185] {strides = array<i32>} : memref<64x32xi32, #tpu.memory_space<vmem>>, vector<16xi32>,
        tpu.vector_store %arg14[%swap3A_184, %swap3A_185], %add3A_183 {strides = array<i32>} : memref<64x32xi32, #tpu.memory_space<vmem>>, vector<16xi32>,
        %mul3A_187 = arith.constant 32 : i32
        %mul3A_188 = arith.muli %add3A_139, %mul3A_187 : i32
        %add3A_189 = arith.constant 16 : i32
        %add3A_190 = arith.addi %mul3A_188, %add3A_189 : i32
        %get3A_191 = arith.index_cast %add3A_190 : i32 to index
        %get3A_192 = tpu.vector_load %arg9[%get3A_191] {strides = array<i32>} : memref<1056xi32, #tpu.memory_space<vmem>>, vector<16xi32>,
        %add3A_193 = vector.broadcast %mul3A_112 : i32 to vector<16xi32>
        %add3A_194 = arith.addi %get3A_192, %add3A_193 : vector<16xi32>
        %swap3A_195 = arith.index_cast %add3A_170 : i32 to index
        %swap3A_196 = arith.constant 16 : index
        %swap3A_197 = tpu.vector_load %arg13[%swap3A_195, %swap3A_196] {strides = array<i32>} : memref<64x32xi32, #tpu.memory_space<vmem>>, vector<16xi32>,
        tpu.vector_store %arg13[%swap3A_195, %swap3A_196], %add3A_194 {strides = array<i32>} : memref<64x32xi32, #tpu.memory_space<vmem>>, vector<16xi32>,
        %get3A_198 = arith.index_cast %add3A_190 : i32 to index
        %get3A_199 = tpu.vector_load %arg8[%get3A_198] {strides = array<i32>} : memref<1056xi32, #tpu.memory_space<vmem>>, vector<16xi32>,
        %add3A_200 = vector.broadcast %mul3A_110 : i32 to vector<16xi32>
        %add3A_201 = arith.addi %get3A_199, %add3A_200 : vector<16xi32>
        %swap3A_202 = arith.index_cast %add3A_170 : i32 to index
        %swap3A_203 = arith.constant 16 : index
        %swap3A_204 = tpu.vector_load %arg14[%swap3A_202, %swap3A_203] {strides = array<i32>} : memref<64x32xi32, #tpu.memory_space<vmem>>, vector<16xi32>,
        tpu.vector_store %arg14[%swap3A_202, %swap3A_203], %add3A_201 {strides = array<i32>} : memref<64x32xi32, #tpu.memory_space<vmem>>, vector<16xi32>,
        %run_scoped3A = arith.constant 0 : i32
        "tpu.region"() ({
          %run_scoped3A_216 = tpu.sem_alloc : memref<!tpu.dma_semaphore, #tpu.memory_space<semaphore_mem>>
          %dma_start3A_217 = arith.constant 0 : i32
          %dma_start3A_218 = arith.constant 0 : i32
          %dma_start3A_219 = tpu.memref_slice %arg12[%run_scoped3A, %dma_start3A_217, %dma_start3A_218] : memref<2x32x768xf32, #tpu.memory_space<vmem>> -> memref<1x32x768xf32, #tpu.memory_space<vmem>>
          %dma_start3A_220 = tpu.memref_squeeze %dma_start3A_219 : memref<1x32x768xf32, #tpu.memory_space<vmem>> -> memref<32x768xf32, #tpu.memory_space<vmem>>
          %dma_start3A_221 = arith.constant 0 : i32
          %dma_start3A_222 = tpu.memref_slice %arg13[%add3A_170, %dma_start3A_221] : memref<64x32xi32, #tpu.memory_space<vmem>> -> memref<1x32xi32, #tpu.memory_space<vmem>>
          %dma_start3A_223 = tpu.memref_squeeze %dma_start3A_222 : memref<1x32xi32, #tpu.memory_space<vmem>> -> memref<32xi32, #tpu.memory_space<vmem>>
          %dma_start3A_224 = arith.constant 0 : i32
          %dma_start3A_225 = arith.constant 0 : i32
          %dma_start3A_226 = tpu.memref_slice %arg2[%dma_start3A_224, %dma_start3A_225] : memref<16384x768xf32, #tpu.memory_space<hbm>> -> memref<16384x768xf32, #tpu.memory_space<hbm>>
          tpu.enqueue_indirect_dma source(%dma_start3A_226 : memref<16384x768xf32, #tpu.memory_space<hbm>>) target(%dma_start3A_220 : memref<32x768xf32, #tpu.memory_space<vmem>>) offsets(%dma_start3A_223 : memref<32xi32, #tpu.memory_space<vmem>>) semaphore(%run_scoped3A_216 : memref<!tpu.dma_semaphore, #tpu.memory_space<semaphore_mem>>)
          %dma_wait3A_227 = arith.constant 0 : i32
          %dma_wait3A_228 = arith.constant 0 : i32
          %dma_wait3A_229 = tpu.memref_slice %arg12[%run_scoped3A, %dma_wait3A_227, %dma_wait3A_228] : memref<2x32x768xf32, #tpu.memory_space<vmem>> -> memref<1x32x768xf32, #tpu.memory_space<vmem>>
          %dma_wait3A_230 = tpu.memref_squeeze %dma_wait3A_229 : memref<1x32x768xf32, #tpu.memory_space<vmem>> -> memref<32x768xf32, #tpu.memory_space<vmem>>
          %dma_wait3A_231 = arith.constant 0 : i32
          %dma_wait3A_232 = tpu.memref_slice %arg13[%add3A_170, %dma_wait3A_231] : memref<64x32xi32, #tpu.memory_space<vmem>> -> memref<1x32xi32, #tpu.memory_space<vmem>>
          %dma_wait3A_233 = tpu.memref_squeeze %dma_wait3A_232 : memref<1x32xi32, #tpu.memory_space<vmem>> -> memref<32xi32, #tpu.memory_space<vmem>>
          %dma_wait3A_234 = arith.constant 0 : i32
          %dma_wait3A_235 = arith.constant 0 : i32
          %dma_wait3A_236 = tpu.memref_slice %arg2[%dma_wait3A_234, %dma_wait3A_235] : memref<16384x768xf32, #tpu.memory_space<hbm>> -> memref<16384x768xf32, #tpu.memory_space<hbm>>
          tpu.wait_indirect_dma semaphore(%run_scoped3A_216 : memref<!tpu.dma_semaphore, #tpu.memory_space<semaphore_mem>>) src(%dma_wait3A_236 : memref<16384x768xf32, #tpu.memory_space<hbm>>) dst(%dma_wait3A_230 : memref<32x768xf32, #tpu.memory_space<vmem>>)
          tpu.yield
        }) : () -> ()
        %dma_start3A_205 = arith.constant 0 : i32
        %dma_start3A_206 = arith.constant 0 : i32
        %dma_start3A_207 = arith.constant 0 : i32
        %dma_start3A_208 = tpu.memref_slice %arg12[%dma_start3A_205, %dma_start3A_206, %dma_start3A_207] : memref<2x32x768xf32, #tpu.memory_space<vmem>> -> memref<1x32x768xf32, #tpu.memory_space<vmem>>
        %dma_start3A_209 = tpu.memref_squeeze %dma_start3A_208 : memref<1x32x768xf32, #tpu.memory_space<vmem>> -> memref<32x768xf32, #tpu.memory_space<vmem>>
        %dma_start3A_210 = arith.constant 0 : i32
        %dma_start3A_211 = tpu.memref_slice %arg14[%add3A_170, %dma_start3A_210] : memref<64x32xi32, #tpu.memory_space<vmem>> -> memref<1x32xi32, #tpu.memory_space<vmem>>
        %dma_start3A_212 = tpu.memref_squeeze %dma_start3A_211 : memref<1x32xi32, #tpu.memory_space<vmem>> -> memref<32xi32, #tpu.memory_space<vmem>>
        %dma_start3A_213 = arith.constant 0 : i32
        %dma_start3A_214 = arith.constant 0 : i32
        %dma_start3A_215 = tpu.memref_slice %arg6[%dma_start3A_213, %dma_start3A_214] : memref<65536x768xf32, #tpu.memory_space<hbm>> -> memref<65536x768xf32, #tpu.memory_space<hbm>>
        tpu.enqueue_indirect_dma source(%dma_start3A_209 : memref<32x768xf32, #tpu.memory_space<vmem>>) target(%dma_start3A_215 : memref<65536x768xf32, #tpu.memory_space<hbm>>) offsets(%dma_start3A_212 : memref<32xi32, #tpu.memory_space<vmem>>) semaphore(%arg17 : memref<!tpu.dma_semaphore, #tpu.memory_space<semaphore_mem>>)
      } else {
      }
      %add3A_152 = arith.constant 1 : i32
      %add3A_153 = arith.addi %add3A_137, %add3A_152 : i32
      %mul3A_154 = arith.constant 32 : i32
      %mul3A_155 = arith.muli %add3A_153, %mul3A_154 : i32
      %lt3A_156 = arith.cmpi slt, %mul3A_155, %scan3A_13#0 : i32
      %ge3A_157 = arith.constant 2 : i32
      %ge3A_158 = arith.cmpi sge, %add3A_153, %ge3A_157 : i32
      %and3A_159 = arith.andi %lt3A_156, %ge3A_158 : i1
      %convert_element_type3A_160 = arith.extui %and3A_159 : i1 to i32
      %cond3A_161 = arith.constant 0 : i32
      %cond3A_162 = arith.cmpi ne, %convert_element_type3A_160, %cond3A_161 : i32
      scf.if %cond3A_162 {
        %dma_wait3A_169 = arith.constant 1 : i32
        %dma_wait3A_170 = arith.constant 0 : i32
        %dma_wait3A_171 = arith.constant 0 : i32
        %dma_wait3A_172 = tpu.memref_slice %arg12[%dma_wait3A_169, %dma_wait3A_170, %dma_wait3A_171] : memref<2x32x768xf32, #tpu.memory_space<vmem>> -> memref<1x32x768xf32, #tpu.memory_space<vmem>>
        %dma_wait3A_173 = tpu.memref_squeeze %dma_wait3A_172 : memref<1x32x768xf32, #tpu.memory_space<vmem>> -> memref<32x768xf32, #tpu.memory_space<vmem>>
        %dma_wait3A_174 = arith.constant 0 : i32
        %dma_wait3A_175 = arith.constant 0 : i32
        %dma_wait3A_176 = tpu.memref_slice %arg6[%dma_wait3A_174, %dma_wait3A_175] : memref<65536x768xf32, #tpu.memory_space<hbm>> -> memref<32x768xf32, #tpu.memory_space<hbm>>
        %dma_wait3A_177 = arith.constant 0 : i32
        %dma_wait3A_178 = arith.constant 0 : i32
        %dma_wait3A_179 = tpu.memref_slice %arg6[%dma_wait3A_177, %dma_wait3A_178] : memref<65536x768xf32, #tpu.memory_space<hbm>> -> memref<32x768xf32, #tpu.memory_space<hbm>>
        %dma_wait3A_180 = arith.constant 0 : i32
        %dma_wait3A_181 = arith.constant 0 : i32
        %dma_wait3A_182 = tpu.memref_slice %arg12[%dma_wait3A_169, %dma_wait3A_180, %dma_wait3A_181] : memref<2x32x768xf32, #tpu.memory_space<vmem>> -> memref<1x32x768xf32, #tpu.memory_space<vmem>>
        %dma_wait3A_183 = tpu.memref_squeeze %dma_wait3A_182 : memref<1x32x768xf32, #tpu.memory_space<vmem>> -> memref<32x768xf32, #tpu.memory_space<vmem>>
        tpu.wait_dma2 semaphore(%arg18 : memref<!tpu.dma_semaphore, #tpu.memory_space<semaphore_mem>>) src(%dma_wait3A_183 : memref<32x768xf32, #tpu.memory_space<vmem>>) dst(%dma_wait3A_179 : memref<32x768xf32, #tpu.memory_space<hbm>>)
      } else {
      }
      %mul3A_163 = arith.constant 32 : i32
      %mul3A_164 = arith.muli %add3A_153, %mul3A_163 : i32
      %lt3A_165 = arith.cmpi slt, %mul3A_164, %scan3A_13#0 : i32
      %convert_element_type3A_166 = arith.extui %lt3A_165 : i1 to i32
      %cond3A_167 = arith.constant 0 : i32
      %cond3A_168 = arith.cmpi ne, %convert_element_type3A_166, %cond3A_167 : i32
      scf.if %cond3A_168 {
        %add3A_169 = arith.constant 32 : i32
        %add3A_170 = arith.addi %add3A_169, %add3A_153 : i32
        %mul3A_171 = arith.constant 32 : i32
        %mul3A_172 = arith.muli %add3A_153, %mul3A_171 : i32
        %add3A_173 = arith.constant 0 : i32
        %add3A_174 = arith.addi %mul3A_172, %add3A_173 : i32
        %get3A = arith.index_cast %add3A_174 : i32 to index
        %get3A_175 = tpu.vector_load %arg9[%get3A] {strides = array<i32>} : memref<1056xi32, #tpu.memory_space<vmem>>, vector<16xi32>,
        %add3A_176 = vector.broadcast %mul3A_112 : i32 to vector<16xi32>
        %add3A_177 = arith.addi %get3A_175, %add3A_176 : vector<16xi32>
        %swap3A = arith.index_cast %add3A_170 : i32 to index
        %swap3A_178 = arith.constant 0 : index
        %swap3A_179 = tpu.vector_load %arg13[%swap3A, %swap3A_178] {strides = array<i32>} : memref<64x32xi32, #tpu.memory_space<vmem>>, vector<16xi32>,
        tpu.vector_store %arg13[%swap3A, %swap3A_178], %add3A_177 {strides = array<i32>} : memref<64x32xi32, #tpu.memory_space<vmem>>, vector<16xi32>,
        %get3A_180 = arith.index_cast %add3A_174 : i32 to index
        %get3A_181 = tpu.vector_load %arg8[%get3A_180] {strides = array<i32>} : memref<1056xi32, #tpu.memory_space<vmem>>, vector<16xi32>,
        %add3A_182 = vector.broadcast %mul3A_110 : i32 to vector<16xi32>
        %add3A_183 = arith.addi %get3A_181, %add3A_182 : vector<16xi32>
        %swap3A_184 = arith.index_cast %add3A_170 : i32 to index
        %swap3A_185 = arith.constant 0 : index
        %swap3A_186 = tpu.vector_load %arg14[%swap3A_184, %swap3A_185] {strides = array<i32>} : memref<64x32xi32, #tpu.memory_space<vmem>>, vector<16xi32>,
        tpu.vector_store %arg14[%swap3A_184, %swap3A_185], %add3A_183 {strides = array<i32>} : memref<64x32xi32, #tpu.memory_space<vmem>>, vector<16xi32>,
        %mul3A_187 = arith.constant 32 : i32
        %mul3A_188 = arith.muli %add3A_153, %mul3A_187 : i32
        %add3A_189 = arith.constant 16 : i32
        %add3A_190 = arith.addi %mul3A_188, %add3A_189 : i32
        %get3A_191 = arith.index_cast %add3A_190 : i32 to index
        %get3A_192 = tpu.vector_load %arg9[%get3A_191] {strides = array<i32>} : memref<1056xi32, #tpu.memory_space<vmem>>, vector<16xi32>,
        %add3A_193 = vector.broadcast %mul3A_112 : i32 to vector<16xi32>
        %add3A_194 = arith.addi %get3A_192, %add3A_193 : vector<16xi32>
        %swap3A_195 = arith.index_cast %add3A_170 : i32 to index
        %swap3A_196 = arith.constant 16 : index
        %swap3A_197 = tpu.vector_load %arg13[%swap3A_195, %swap3A_196] {strides = array<i32>} : memref<64x32xi32, #tpu.memory_space<vmem>>, vector<16xi32>,
        tpu.vector_store %arg13[%swap3A_195, %swap3A_196], %add3A_194 {strides = array<i32>} : memref<64x32xi32, #tpu.memory_space<vmem>>, vector<16xi32>,
        %get3A_198 = arith.index_cast %add3A_190 : i32 to index
        %get3A_199 = tpu.vector_load %arg8[%get3A_198] {strides = array<i32>} : memref<1056xi32, #tpu.memory_space<vmem>>, vector<16xi32>,
        %add3A_200 = vector.broadcast %mul3A_110 : i32 to vector<16xi32>
        %add3A_201 = arith.addi %get3A_199, %add3A_200 : vector<16xi32>
        %swap3A_202 = arith.index_cast %add3A_170 : i32 to index
        %swap3A_203 = arith.constant 16 : index
        %swap3A_204 = tpu.vector_load %arg14[%swap3A_202, %swap3A_203] {strides = array<i32>} : memref<64x32xi32, #tpu.memory_space<vmem>>, vector<16xi32>,
        tpu.vector_store %arg14[%swap3A_202, %swap3A_203], %add3A_201 {strides = array<i32>} : memref<64x32xi32, #tpu.memory_space<vmem>>, vector<16xi32>,
        %run_scoped3A = arith.constant 1 : i32
        "tpu.region"() ({
          %run_scoped3A_216 = tpu.sem_alloc : memref<!tpu.dma_semaphore, #tpu.memory_space<semaphore_mem>>
          %dma_start3A_217 = arith.constant 0 : i32
          %dma_start3A_218 = arith.constant 0 : i32
          %dma_start3A_219 = tpu.memref_slice %arg12[%run_scoped3A, %dma_start3A_217, %dma_start3A_218] : memref<2x32x768xf32, #tpu.memory_space<vmem>> -> memref<1x32x768xf32, #tpu.memory_space<vmem>>
          %dma_start3A_220 = tpu.memref_squeeze %dma_start3A_219 : memref<1x32x768xf32, #tpu.memory_space<vmem>> -> memref<32x768xf32, #tpu.memory_space<vmem>>
          %dma_start3A_221 = arith.constant 0 : i32
          %dma_start3A_222 = tpu.memref_slice %arg13[%add3A_170, %dma_start3A_221] : memref<64x32xi32, #tpu.memory_space<vmem>> -> memref<1x32xi32, #tpu.memory_space<vmem>>
          %dma_start3A_223 = tpu.memref_squeeze %dma_start3A_222 : memref<1x32xi32, #tpu.memory_space<vmem>> -> memref<32xi32, #tpu.memory_space<vmem>>
          %dma_start3A_224 = arith.constant 0 : i32
          %dma_start3A_225 = arith.constant 0 : i32
          %dma_start3A_226 = tpu.memref_slice %arg2[%dma_start3A_224, %dma_start3A_225] : memref<16384x768xf32, #tpu.memory_space<hbm>> -> memref<16384x768xf32, #tpu.memory_space<hbm>>
          tpu.enqueue_indirect_dma source(%dma_start3A_226 : memref<16384x768xf32, #tpu.memory_space<hbm>>) target(%dma_start3A_220 : memref<32x768xf32, #tpu.memory_space<vmem>>) offsets(%dma_start3A_223 : memref<32xi32, #tpu.memory_space<vmem>>) semaphore(%run_scoped3A_216 : memref<!tpu.dma_semaphore, #tpu.memory_space<semaphore_mem>>)
          %dma_wait3A_227 = arith.constant 0 : i32
          %dma_wait3A_228 = arith.constant 0 : i32
          %dma_wait3A_229 = tpu.memref_slice %arg12[%run_scoped3A, %dma_wait3A_227, %dma_wait3A_228] : memref<2x32x768xf32, #tpu.memory_space<vmem>> -> memref<1x32x768xf32, #tpu.memory_space<vmem>>
          %dma_wait3A_230 = tpu.memref_squeeze %dma_wait3A_229 : memref<1x32x768xf32, #tpu.memory_space<vmem>> -> memref<32x768xf32, #tpu.memory_space<vmem>>
          %dma_wait3A_231 = arith.constant 0 : i32
          %dma_wait3A_232 = tpu.memref_slice %arg13[%add3A_170, %dma_wait3A_231] : memref<64x32xi32, #tpu.memory_space<vmem>> -> memref<1x32xi32, #tpu.memory_space<vmem>>
          %dma_wait3A_233 = tpu.memref_squeeze %dma_wait3A_232 : memref<1x32xi32, #tpu.memory_space<vmem>> -> memref<32xi32, #tpu.memory_space<vmem>>
          %dma_wait3A_234 = arith.constant 0 : i32
          %dma_wait3A_235 = arith.constant 0 : i32
          %dma_wait3A_236 = tpu.memref_slice %arg2[%dma_wait3A_234, %dma_wait3A_235] : memref<16384x768xf32, #tpu.memory_space<hbm>> -> memref<16384x768xf32, #tpu.memory_space<hbm>>
          tpu.wait_indirect_dma semaphore(%run_scoped3A_216 : memref<!tpu.dma_semaphore, #tpu.memory_space<semaphore_mem>>) src(%dma_wait3A_236 : memref<16384x768xf32, #tpu.memory_space<hbm>>) dst(%dma_wait3A_230 : memref<32x768xf32, #tpu.memory_space<vmem>>)
          tpu.yield
        }) : () -> ()
        %dma_start3A_205 = arith.constant 1 : i32
        %dma_start3A_206 = arith.constant 0 : i32
        %dma_start3A_207 = arith.constant 0 : i32
        %dma_start3A_208 = tpu.memref_slice %arg12[%dma_start3A_205, %dma_start3A_206, %dma_start3A_207] : memref<2x32x768xf32, #tpu.memory_space<vmem>> -> memref<1x32x768xf32, #tpu.memory_space<vmem>>
        %dma_start3A_209 = tpu.memref_squeeze %dma_start3A_208 : memref<1x32x768xf32, #tpu.memory_space<vmem>> -> memref<32x768xf32, #tpu.memory_space<vmem>>
        %dma_start3A_210 = arith.constant 0 : i32
        %dma_start3A_211 = tpu.memref_slice %arg14[%add3A_170, %dma_start3A_210] : memref<64x32xi32, #tpu.memory_space<vmem>> -> memref<1x32xi32, #tpu.memory_space<vmem>>
        %dma_start3A_212 = tpu.memref_squeeze %dma_start3A_211 : memref<1x32xi32, #tpu.memory_space<vmem>> -> memref<32xi32, #tpu.memory_space<vmem>>
        %dma_start3A_213 = arith.constant 0 : i32
        %dma_start3A_214 = arith.constant 0 : i32
        %dma_start3A_215 = tpu.memref_slice %arg6[%dma_start3A_213, %dma_start3A_214] : memref<65536x768xf32, #tpu.memory_space<hbm>> -> memref<65536x768xf32, #tpu.memory_space<hbm>>
        tpu.enqueue_indirect_dma source(%dma_start3A_209 : memref<32x768xf32, #tpu.memory_space<vmem>>) target(%dma_start3A_215 : memref<65536x768xf32, #tpu.memory_space<hbm>>) offsets(%dma_start3A_212 : memref<32xi32, #tpu.memory_space<vmem>>) semaphore(%arg18 : memref<!tpu.dma_semaphore, #tpu.memory_space<semaphore_mem>>)
      } else {
      }
    }
    %scan3A_117 = arith.constant 16 : i32
    %gt3A_118 = arith.constant 0 : i32
    %gt3A_119 = arith.cmpi sgt, %scan3A_13#0, %gt3A_118 : i32
    %convert_element_type3A_120 = arith.extui %gt3A_119 : i1 to i32
    %cond3A_121 = arith.constant 0 : i32
    %cond3A_122 = arith.cmpi ne, %convert_element_type3A_120, %cond3A_121 : i32
    scf.if %cond3A_122 {
      %dma_wait3A_133 = arith.constant 0 : i32
      %dma_wait3A_134 = arith.constant 0 : i32
      %dma_wait3A_135 = arith.constant 0 : i32
      %dma_wait3A_136 = tpu.memref_slice %arg12[%dma_wait3A_133, %dma_wait3A_134, %dma_wait3A_135] : memref<2x32x768xf32, #tpu.memory_space<vmem>> -> memref<1x32x768xf32, #tpu.memory_space<vmem>>
      %dma_wait3A_137 = tpu.memref_squeeze %dma_wait3A_136 : memref<1x32x768xf32, #tpu.memory_space<vmem>> -> memref<32x768xf32, #tpu.memory_space<vmem>>
      %dma_wait3A_138 = arith.constant 0 : i32
      %dma_wait3A_139 = arith.constant 0 : i32
      %dma_wait3A_140 = tpu.memref_slice %arg6[%dma_wait3A_138, %dma_wait3A_139] : memref<65536x768xf32, #tpu.memory_space<hbm>> -> memref<32x768xf32, #tpu.memory_space<hbm>>
      %dma_wait3A_141 = arith.constant 0 : i32
      %dma_wait3A_142 = arith.constant 0 : i32
      %dma_wait3A_143 = tpu.memref_slice %arg6[%dma_wait3A_141, %dma_wait3A_142] : memref<65536x768xf32, #tpu.memory_space<hbm>> -> memref<32x768xf32, #tpu.memory_space<hbm>>
      %dma_wait3A_144 = arith.constant 0 : i32
      %dma_wait3A_145 = arith.constant 0 : i32
      %dma_wait3A_146 = tpu.memref_slice %arg12[%dma_wait3A_133, %dma_wait3A_144, %dma_wait3A_145] : memref<2x32x768xf32, #tpu.memory_space<vmem>> -> memref<1x32x768xf32, #tpu.memory_space<vmem>>
      %dma_wait3A_147 = tpu.memref_squeeze %dma_wait3A_146 : memref<1x32x768xf32, #tpu.memory_space<vmem>> -> memref<32x768xf32, #tpu.memory_space<vmem>>
      tpu.wait_dma2 semaphore(%arg17 : memref<!tpu.dma_semaphore, #tpu.memory_space<semaphore_mem>>) src(%dma_wait3A_147 : memref<32x768xf32, #tpu.memory_space<vmem>>) dst(%dma_wait3A_143 : memref<32x768xf32, #tpu.memory_space<hbm>>)
    } else {
    }
    %gt3A_123 = arith.constant 32 : i32
    %gt3A_124 = arith.cmpi sgt, %scan3A_13#0, %gt3A_123 : i32
    %convert_element_type3A_125 = arith.extui %gt3A_124 : i1 to i32
    %cond3A_126 = arith.constant 0 : i32
    %cond3A_127 = arith.cmpi ne, %convert_element_type3A_125, %cond3A_126 : i32
    scf.if %cond3A_127 {
      %dma_wait3A_133 = arith.constant 1 : i32
      %dma_wait3A_134 = arith.constant 0 : i32
      %dma_wait3A_135 = arith.constant 0 : i32
      %dma_wait3A_136 = tpu.memref_slice %arg12[%dma_wait3A_133, %dma_wait3A_134, %dma_wait3A_135] : memref<2x32x768xf32, #tpu.memory_space<vmem>> -> memref<1x32x768xf32, #tpu.memory_space<vmem>>
      %dma_wait3A_137 = tpu.memref_squeeze %dma_wait3A_136 : memref<1x32x768xf32, #tpu.memory_space<vmem>> -> memref<32x768xf32, #tpu.memory_space<vmem>>
      %dma_wait3A_138 = arith.constant 0 : i32
      %dma_wait3A_139 = arith.constant 0 : i32
      %dma_wait3A_140 = tpu.memref_slice %arg6[%dma_wait3A_138, %dma_wait3A_139] : memref<65536x768xf32, #tpu.memory_space<hbm>> -> memref<32x768xf32, #tpu.memory_space<hbm>>
      %dma_wait3A_141 = arith.constant 0 : i32
      %dma_wait3A_142 = arith.constant 0 : i32
      %dma_wait3A_143 = tpu.memref_slice %arg6[%dma_wait3A_141, %dma_wait3A_142] : memref<65536x768xf32, #tpu.memory_space<hbm>> -> memref<32x768xf32, #tpu.memory_space<hbm>>
      %dma_wait3A_144 = arith.constant 0 : i32
      %dma_wait3A_145 = arith.constant 0 : i32
      %dma_wait3A_146 = tpu.memref_slice %arg12[%dma_wait3A_133, %dma_wait3A_144, %dma_wait3A_145] : memref<2x32x768xf32, #tpu.memory_space<vmem>> -> memref<1x32x768xf32, #tpu.memory_space<vmem>>
      %dma_wait3A_147 = tpu.memref_squeeze %dma_wait3A_146 : memref<1x32x768xf32, #tpu.memory_space<vmem>> -> memref<32x768xf32, #tpu.memory_space<vmem>>
      tpu.wait_dma2 semaphore(%arg18 : memref<!tpu.dma_semaphore, #tpu.memory_space<semaphore_mem>>) src(%dma_wait3A_147 : memref<32x768xf32, #tpu.memory_space<vmem>>) dst(%dma_wait3A_143 : memref<32x768xf32, #tpu.memory_space<hbm>>)
    } else {
    }
    %scan3A_128 = arith.constant 0 : i32
    %scan3A_129 = arith.constant 16 : i32
    %scan3A_130 = arith.addi %scan3A_128, %scan3A_129 : i32
    %scan3A_131 = arith.constant 1 : i32
    scf.for %scan3A_133 = %scan3A_128 to %scan3A_130 step %scan3A_131  : i32 {
      %mul3A_134 = arith.constant 1 : i32
      %mul3A_135 = arith.muli %scan3A_133, %mul3A_134 : i32
      %add3A_136 = arith.constant 0 : i32
      %add3A_137 = arith.addi %add3A_136, %mul3A_135 : i32
      %mul3A_138 = arith.constant 64 : i32
      %mul3A_139 = arith.muli %add3A_137, %mul3A_138 : i32
      %lt3A = arith.cmpi slt, %mul3A_139, %scan3A_13#1 : i32
      %convert_element_type3A_140 = arith.extui %lt3A : i1 to i32
      %cond3A_141 = arith.constant 0 : i32
      %cond3A_142 = arith.cmpi ne, %convert_element_type3A_140, %cond3A_141 : i32
      scf.if %cond3A_142 {
        %dma_wait3A_143 = arith.constant 0 : i32
        %dma_wait3A_144 = arith.constant 0 : i32
        %dma_wait3A_145 = tpu.memref_slice %arg6[%dma_wait3A_143, %dma_wait3A_144] : memref<65536x768xf32, #tpu.memory_space<hbm>> -> memref<64x768xf32, #tpu.memory_space<hbm>>
        %dma_wait3A_146 = arith.constant 0 : i32
        %dma_wait3A_147 = arith.constant 0 : i32
        %dma_wait3A_148 = tpu.memref_slice %arg6[%dma_wait3A_146, %dma_wait3A_147] : memref<65536x768xf32, #tpu.memory_space<hbm>> -> memref<64x768xf32, #tpu.memory_space<hbm>>
        tpu.wait_dma2 semaphore(%arg16 : memref<!tpu.dma_semaphore, #tpu.memory_space<semaphore_mem>>) src(%arg11 : memref<64x768xf32, #tpu.memory_space<vmem>>) dst(%dma_wait3A_148 : memref<64x768xf32, #tpu.memory_space<hbm>>)
        %dma_wait3A_149 = arith.constant 0 : i32
        %dma_wait3A_150 = arith.constant 0 : i32
        %dma_wait3A_151 = tpu.memref_slice %arg6[%dma_wait3A_149, %dma_wait3A_150] : memref<65536x768xf32, #tpu.memory_space<hbm>> -> memref<64x768xf32, #tpu.memory_space<hbm>>
        %dma_wait3A_152 = arith.constant 0 : i32
        %dma_wait3A_153 = arith.constant 0 : i32
        %dma_wait3A_154 = tpu.memref_slice %arg6[%dma_wait3A_152, %dma_wait3A_153] : memref<65536x768xf32, #tpu.memory_space<hbm>> -> memref<64x768xf32, #tpu.memory_space<hbm>>
        tpu.wait_dma2 semaphore(%arg16 : memref<!tpu.dma_semaphore, #tpu.memory_space<semaphore_mem>>) src(%arg11 : memref<64x768xf32, #tpu.memory_space<vmem>>) dst(%dma_wait3A_154 : memref<64x768xf32, #tpu.memory_space<hbm>>)
      } else {
      }
    }
    %scan3A_132 = arith.constant 16 : i32
    return
  }
}

</mosaic_0001>

<sc_bundles>
// kernel: kernel.3.cloned.1.call-start
scs
__scs_entry_jumppad:
0x0: {  	(pc) =	sbr.rel $0x88, $3  }
0x1: {  	(tag) =	ssettag $0x0;
	lr =	simm.s32 $0x1  }
0x2: {  	[smem:$0x3F9D] =	sst lr;
	_ =	strace $0xD0000000  }
0x3: {  	_ = 	snop  }
0x4: {  	_ = 	snop  }
0x5: {  	_ = 	snop  }
0x6: {  	_ = 	snop  }
0x7: {  	_ = 	snop  }
__scs_overlays_trampoline_lowered:
0x8: {  	[smem:$0x3FAC] =	sst s0  }
0x9: {  	[smem:$0x3FAD] =	sst s1  }
0xa: {  	[smem:$0x3FAE] =	sst s2  }
0xb: {  	[smem:$0x3FAF] =	sst s3  }
0xc: {  	[smem:$0x3FB0] =	sst s4  }
0xd: {  	[smem:$0x3FB1] =	sst s5  }
0xe: {  	[smem:$0x3FB2] =	sst s6  }
0xf: {  	[smem:$0x3FB3] =	sst s7  }
0x10: {  	[smem:$0x3FB4] =	sst s8  }
0x11: {  	[smem:$0x3FB5] =	sst s9;
	s0 =	simm.s32 @!p0 $0x0  }
0x12: {  	s1 =	sld [smem:$0x3F9B];
	s0 =	simm.s32 @p0 $0x1  }
0x13: {  	[smem:$0x3FB6] =	sst s0;
	s0 =	simm.s32 @!p1 $0x0  }
0x14: {  	s2 =	sld [smem:$0x3F9A];
	s0 =	simm.s32 @p1 $0x1  }
0x15: {  	[smem:$0x3FB7] =	sst s0;
	s0 =	simm.s32 @!p2 $0x0  }
0x16: {  	s3 =	sld [smem:$0x3FDB];
	s0 =	simm.s32 @p2 $0x1  }
0x17: {  	s4 =	simm.s32 $0x1BF5;
	[smem:$0x3FB9] =	sst s0  }
0x18: {  	s0 =	sld [smem:$0x3F9C];
	_ =	swait.ge [sflag:s4], $0x0  }
0x19: {  	s7 =	sld [smem:$0x3F9D]  }
0x1a: {  	s8 =	sadd.s32 $0xFFFFE003, lr  }
0x1b: {  	s9 =	sadd.s32 $0xFFFFFEF7, lr;
	s5 =	simm.s32 $0xFFFFFFFF;
	p2 =	slt.u32 s8, $0xFFFFF086  }
0x1c: {  	p1 =	slt.u32 s9, $0xF7A;
	s5 =	simm.s32 @!p2 $0x0  }
0x1d: {  	s5 =	simm.s32 @p1 $0x1;
	p0 =	seq.s32 s7, s2  }
0x1e: {  	s7 =	smul.u32 @!p0 $0xF7A, s2;
	p2 =	seq.s32 @!p0 s5, $0x0  }
0x1f: {  	s9 =	smul.u32 $0xF7A, s1;
	s8 =	simm.s32 @!p0 $0x1BF5;
	p2 =	por !p2, p0  }
0x20: {  	[sflag:s8] =	ssyncset.s32 @!p0 $0xFFFFF086;
	s6 =	sadd.s32 @!p0 s3, s7;
	s7 =	simm.s32 @!p0 $0x108  }
0x21: {  	s3 =	sadd.s32 s3, s9;
	s6 =	sadd.s32 @!p0 $0x88, s6;
	s7 =	simm.s32 @p2 $0x1082  }
0x22: {  	[simem:s7], [sflag:s8] =	dma.local @!p0 [hbm:s6], $0xF7A  }
0x23: {  	s9 =	sor.u32 $0xD0000000, s2;
	s6 =	simm.s32 $0x108;
	_ =	swait.ge @!p0 [sflag:s8], $0x0  }
0x24: {  	s3 =	sadd.s32 $0x88, s3;
	s6 =	simm.s32 @!p1 $0x1082;
	[sflag:s4] =	ssyncset.s32 $0xFFFFF086  }
0x25: {  	[simem:s6], [sflag:s4] =	dma.local [hbm:s3], $0xF7A  }
0x26: {  	[smem:$0x3F9D] =	sst s1;
	(tag) =	ssettag s2;
	_ =	strace s9  }
0x27: {  	s1 =	sld [smem:$0x3FAD]  }
0x28: {  	s2 =	sld [smem:$0x3FAE]  }
0x29: {  	s4 =	sld [smem:$0x3FB0]  }
0x2a: {  	p0 =	seq.s32 s5, $0x0;
	s5 =	sld [smem:$0x3FB1]  }
0x2b: {  	s6 =	sld [smem:$0x3FB2]  }
0x2c: {  	s7 =	sld [smem:$0x3FB3]  }
0x2d: {  	s3 =	simm.s32 $0x108;
	s8 =	sld [smem:$0x3FB4]  }
0x2e: {  	s3 =	simm.s32 @!p0 $0x1082;
	s9 =	sld [smem:$0x3FB5]  }
0x2f: {  	lr =	sadd.s32 s0, s3;
	s0 =	sld [smem:$0x3FAC]  }
0x30: {  	s3 =	sld [smem:$0x3FAF]  }
0x31: {  	[smem:$0x3FB8] =	sst s10  }
0x32: {  	s10 =	sld [smem:$0x3FB6];
	_ =	sdelay $0x3  }
0x33: {  	p0 =	seq.s32 s10, $0x1;
	s10 =	sld [smem:$0x3FB8];
	_ =	sdelay $0x3  }
0x34: {  	[smem:$0x3FB8] =	sst s10  }
0x35: {  	s10 =	sld [smem:$0x3FB7];
	_ =	sdelay $0x3  }
0x36: {  	p1 =	seq.s32 s10, $0x1;
	s10 =	sld [smem:$0x3FB8];
	_ =	sdelay $0x3  }
0x37: {  	[smem:$0x3FB8] =	sst s10  }
0x38: {  	s10 =	sld [smem:$0x3FB9]  }
0x39: {  	_ = 	snop;
	(pc) =	sbr.ind lr, $3  }
0x3a: {  	_ = 	snop  }
0x3b: {  	_ = 	snop  }
0x3c: {  	p2 =	seq.s32 s10, $0x1;
	s10 =	sld [smem:$0x3FB8]  }
0x3d: {  	_ =	shalt  }
0x3e: {  	_ =	shalt  }
0x3f: {  	_ =	shalt  }
0x40: {  	_ =	shalt  }
0x41: {  	_ =	shalt  }
0x42: {  	_ =	shalt  }
0x43: {  	_ =	shalt  }
0x44: {  	_ =	shalt  }
0x45: {  	_ =	shalt  }
0x46: {  	_ =	shalt  }
0x47: {  	_ =	shalt  }
0x48: {  	_ =	shalt  }
0x49: {  	_ =	shalt  }
0x4a: {  	_ =	shalt  }
0x4b: {  	_ =	shalt  }
0x4c: {  	_ =	shalt  }
0x4d: {  	_ =	shalt  }
0x4e: {  	_ =	shalt  }
0x4f: {  	_ =	shalt  }
0x50: {  	_ =	shalt  }
0x51: {  	_ =	shalt  }
0x52: {  	_ =	shalt  }
0x53: {  	_ =	shalt  }
0x54: {  	_ =	shalt  }
0x55: {  	_ =	shalt  }
0x56: {  	_ =	shalt  }
0x57: {  	_ =	shalt  }
0x58: {  	_ =	shalt  }
0x59: {  	_ =	shalt  }
0x5a: {  	_ =	shalt  }
0x5b: {  	_ =	shalt  }
0x5c: {  	_ =	shalt  }
0x5d: {  	_ =	shalt  }
0x5e: {  	_ =	shalt  }
0x5f: {  	_ =	shalt  }
0x60: {  	_ =	shalt  }
0x61: {  	_ =	shalt  }
0x62: {  	_ =	shalt  }
0x63: {  	_ =	shalt  }
0x64: {  	_ =	shalt  }
0x65: {  	_ =	shalt  }
0x66: {  	_ =	shalt  }
0x67: {  	_ =	shalt  }
0x68: {  	_ =	shalt  }
0x69: {  	_ =	shalt  }
0x6a: {  	_ =	shalt  }
0x6b: {  	_ =	shalt  }
0x6c: {  	_ =	shalt  }
0x6d: {  	_ =	shalt  }
0x6e: {  	_ =	shalt  }
0x6f: {  	_ =	shalt  }
0x70: {  	_ =	shalt  }
0x71: {  	_ =	shalt  }
0x72: {  	_ =	shalt  }
0x73: {  	_ =	shalt  }
0x74: {  	_ =	shalt  }
0x75: {  	_ =	shalt  }
0x76: {  	_ =	shalt  }
0x77: {  	_ =	shalt  }
0x78: {  	_ =	shalt  }
0x79: {  	_ =	shalt  }
0x7a: {  	_ =	shalt  }
0x7b: {  	_ =	shalt  }
0x7c: {  	_ =	shalt  }
0x7d: {  	_ =	shalt  }
0x7e: {  	_ =	shalt  }
0x7f: {  	_ =	shalt  }
0x80: {  	_ =	shalt  }
0x81: {  	_ =	shalt  }
0x82: {  	_ =	shalt  }
0x83: {  	_ =	shalt  }
0x84: {  	_ =	shalt  }
0x85: {  	_ =	shalt  }
0x86: {  	_ =	shalt  }
0x87: {  	_ =	shalt  }
.Lfunc_end0:
.L_simem_size_0:
called_computation_lowered:
.L_overlay_start_0:
0x88: {  	s2 =	sld [smem:$0x3FD9]  }
0x89: {  	s3 =	sld [smem:$0x3FFE];
	_ =	sdelay $0x1  }
0x8a: {  	s1 =	srdreg.scid  }
0x8b: {  	s0 =	sand.u32 $0x1, s1  }
0x8c: {  	s17 =	sshll.u32 s0, $0xA;
	s2 =	sadd.s32 s3, s2  }
0x8d: {  	s2 =	sadd.s32 s2, s17  }
0x8e: {  	[smem:$0x3FC4] =	sst s2  }
0x8f: {  	_ = 	snop  }
0x90: {  	s2 =	sld [smem:$0x3FC9]  }
0x91: {  	s18 =	sld [smem:$0x3FC8]  }
0x92: {  	s4 =	sld [smem:$0x3FC7]  }
0x93: {  	s5 =	sld [smem:$0x3FD0];
	(tm) =	ssettm $0x1  }
0x94: {  	s6 =	sld [smem:$0x3FFB];
	_ =	sdelay $0x3  }
0x95: {  	_ =	strace s6  }
0x96: {  	s6 =	sld [smem:$0x3FFC];
	_ =	sdelay $0x3  }
0x97: {  	_ =	strace s6  }
0x98: {  	s6 =	sld [smem:$0x3FFD];
	_ =	sdelay $0x3  }
0x99: {  	_ =	strace s6  }
0x9a: {  	_ =	strace $0x8FFFFFFF  }
0x9b: {  	s19 =	sld [smem:$0x3FDB];
	_ =	sdelay $0x1  }
0x9c: {  	s7 =	simm.s32 $_scs_section_size  }
0x9d: {  	s8 =	simm.s32 $_size__tile_overlayer_lowered;
	s9 =	simm.s32 $_tile_overlayer_lowered  }
0x9e: {  	s22 =	simm.s32 $0x1BFF;
	s21 =	sshll.u32 s9, $0x1;
	s6 =	sadd.s32 s7, s19  }
0x9f: {  	s10 =	simm.s32 $0x0;
	s20 =	sshll.u32 s8, $0x1;
	s8 =	sadd.s32 s21, s6  }
0xa0: {  	[timem:s10], [sflag:s22] =	dma.local [hbm:s8], s20  }
0xa1: {  	_ =	swait.ge [sflag:s22], s20  }
0xa2: {  	s7 =	ssub.s32 $0x0, s20;
	[sflag:s22] =	ssyncset.done $0x0  }
0xa3: {  	[sflag:s22] =	ssyncadd.s32 s7;
	_ =	sdelay $0x1  }
0xa4: {  	s23 =	simm.s32 $0x1B8B  }
0xa5: {  	_ =	swait.ge [sflag:s23], $0x1  }
0xa6: {  	[sflag:s23] =	ssyncset.done $0x0  }
0xa7: {  	s25 =	simm.s32 $0x1B8E;
	s24 =	sld [smem:$0x3FFE];
	[sflag:s23] =	ssyncadd.s32 $0xFFFFFFFF  }
0xa8: {  	s26 =	simm.s32 $execute0_lowered;
	[smem:$0x3FD2] =	sst s25  }
0xa9: {  	s8 =	sshll.u32 s26, $0x1;
	_ =	strace $0x80000046;
	[dreg:$0x1] =	wrdreg $0xFFFFFFFF  }
0xaa: {  	s28 =	simm.s32 $_size_execute0_lowered;
	s6 =	sadd.s32 s6, s8;
	[dreg:$0x0] =	wrdreg $0x0  }
0xab: {  	s8 =	sshll.u32 s28, $0x1;
	[dreg:$0x2] =	wrdreg s6  }
0xac: {  	[dreg:$0x3] =	wrdreg s8  }
0xad: {  	[dreg:$0x4] =	wrdreg $0xC0  }
0xae: {  	_ =	task [dreg:s10], $0x5FFFF  }
0xaf: {  	[dreg:$0x1] =	wrdreg $0xFFFFFFFF  }
0xb0: {  	[dreg:$0x0] =	wrdreg $0x60  }
0xb1: {  	[dreg:$0x2] =	wrdreg s2  }
0xb2: {  	[dreg:$0x3] =	wrdreg s24  }
0xb3: {  	[dreg:$0x4] =	wrdreg s18  }
0xb4: {  	[dreg:$0x5] =	wrdreg s4  }
0xb5: {  	[dreg:$0x6] =	wrdreg s5  }
0xb6: {  	[dreg:$0x7] =	wrdreg $0x9  }
0xb7: {  	_ =	task.clear_ibuf [dreg:s10], $0x8FFFF;
	_ =	strace $0x90000046  }
0xb8: {  	s29 =	simm.s32 $0x9;
	_ =	strace $0x80000048  }
0xb9: {  	_ =	swait.ge [sflag:s29], $0x1  }
0xba: {  	[sflag:s29] =	ssyncadd.s32 $0xFFFFFFFF  }
0xbb: {  	_ =	strace $0x90000048  }
0xbc: {  	_ =	sfence  }
0xbd: {  	s30 =	sld [smem:$0x0];
	_ =	sdelay $0x2  }
0xbe: {  	s31 =	sshll.u32 s1, $0xD;
	s1 =	sshrl.u32 s1, $0x2  }
0xbf: {  	s3 =	sand.u32 $0x4000, s31;
	s1 =	sadd.s32 s1, s30  }
0xc0: {  	s0 =	sor.u32 s3, s0;
	s1 =	sshll.u32 s1, $0x11  }
0xc1: {  	s0 =	sor.u32 s1, s0  }
0xc2: {  	s0 =	sadd.s32 $0x8F2B, s0  }
0xc3: {  	[sflag:s0] =	ssyncadd.remote.s32 $0x1  }
0xc4: {  	_ =	sfence.sel $0xFFFF  }
0xc5: {  	[dreg:$0x0] =	wrdreg $0xFFFFFFFF;
	(pc) =	sbr.abs _section_cstart, $3  }
0xc6: {  	[dreg:$0x1] =	wrdreg $0xFFFFFFFF  }
0xc7: {  	_ =	task.clear_ibuf [dreg:s10], $0x2FFFF;
	_ =	strace $0x9FFFFFFF  }
0xc8: {  	(tm) =	ssettm $0x7FFFFFFF  }
0xc9: {  	_ =	shalt  }
tec
execute0_lowered:
.L_overlay_start_1:
0x0: {  	(tag) =	ssettag $0x1  }
0x1: {  	s0 =	rddreg [dreg:$0x0]  }
0x2: {  	s1 =	rddreg [dreg:$0x1]  }
0x3: {  	s5 =	rddreg [dreg:$0x4];
	s2 =	srdreg.scid  }
0x4: {  	s3 =	stileid.u32;
	s6 =	simm.s32 $0x0;
	s14 =	simm.s32 $0x4  }
0x5: {  	s16 =	simm.s32 $0x400;
	s17 =	simm.s32 $0x880;
	s18 =	simm.s32 $0xD00  }
0x6: {  	s15 =	simm.s32 $0x1980;
	s31 =	simm.s32 $0x2180;
	s28 =	simm.s32 $0x18980  }
0x7: {  	s2 =	sand.u32 $0x1, s2;
	s3 =	sshll.u32 s3, $0x1;
	[smem:$0x7FF] =	sst s6  }
0x8: {  	s8 =	sadd.s32 $0x100, s5;
	s9 =	sadd.s32 $0x200, s5;
	s10 =	sadd.s32 $0x100, s0  }
0x9: {  	s11 =	sadd.s32 $0x200, s0;
	s4 =	ssub.s32 $0x2, s2;
	s2 =	sor.u32 s2, s3  }
0xa: {  	_ =	strace $0x80000047;
	s26 =	sshrl.u32 s4, $0x1;
	s7 =	smul.u32 $0x1800, s2  }
0xb: {  	v4 =	vlaneseq.u32;
	v5 =	vimm.s32 $0x0;
	s29 =	sshll.u32 s2, $0xB;
	s30 =	sshllo.u32 s2, $0x1;
	s2 =	sshll.u32 s2, $0x9  }
0xc: {  	vm0 =	vmmov $0xffff;
	v6 =	vand.u32 $0x7, v4;
	v7 =	vshrl.u32 v4, $0x3;
	s3 =	ssub.s32 s4, s26;
	s12 =	sshll.u32 s30, $0xA;
	s1 =	sadd.s32 s1, s7  }
0xd: {  	v8 =	vor.u32 $0x8, v4;
	v7 =	vmul.u32 $0x8, v7;
	s4 =	sshll.u32 s30, $0x8;
	v0 =	vmov s29;
	s3 =	smax.u32 s3, $0x1;
	[dreg:$0x6] =	wrdreg s1  }
0xe: {  	v2 =	vmov s2;
	s7 =	simm.s32 $0x1180;
	v1 =	vmov s12;
	v3 =	vmov s4;
	[dreg:$0x7] =	wrdreg s3;
	s3 =	simm.s32 $0x0  }
.LBB2_1:
0xf: {  	[dreg:$0x8] =	wrdreg s3  }
0x10: {  	s1 =	rddreg [dreg:$0x6]  }
0x11: {  	[tilespmem:s7], [sflag:$0x1] =	stream.linear.gather [hbm4b:s1+s6], $0xC000, $0x38;
	[tilespmem:$0x1E180] =	vst v63  }
0x12: {  	s24 =	rddreg [dreg:$0x2]  }
0x13: {  	[tilespmem:s6], [sflag:$0x4] =	stream.linear.gather [hbm4b:s24+s6], $0x300, $0x38;
	[tilespmem:$0x1E180] =	vst v63  }
0x14: {  	_ =	swait.ge [sflag:s14], $0x300  }
0x15: {  	[sflag:s14] =	ssyncset.done $0x0  }
0x16: {  	[sflag:s14] =	ssyncadd.s32 $0xFFFFFD00  }
0x17: {  	s2 =	simm.s32 $0x300;
	s25 =	rddreg [dreg:$0x3]  }
0x18: {  	[tilespmem:s2], [sflag:$0x4] =	stream.linear.gather [hbm4b:s25+s6], $0x100, $0x38;
	[tilespmem:$0x1E180] =	vst v63  }
0x19: {  	_ =	swait.ge [sflag:s14], $0x100  }
0x1a: {  	[sflag:s14] =	ssyncset.done $0x0  }
0x1b: {  	[sflag:s14] =	ssyncadd.s32 $0xFFFFFF00  }
0x1c: {  	v9 =	vld [tilespmem:s6+$0x0];
	_ =	sdelay $0x4  }
0x1d: {  	vm1 =	vgt.s32 v9, $0x2FF  }
0x1e: {  	vm2 =	vle.s32 v9, $0x2FF;
	v10 =	vsel vm1, $0x1, v5  }
0x1f: {  	(xrf0) =	vadd.scan.msk.s32 $0xffff, v10;
	v10 =	vsel vm2, $0x1, v5  }
0x20: {  	(xrf0) =	vadd.scan.msk.s32 $0xffff, v10;
	_ =	sdelay $0x4  }
0x21: {  	v10, _, _ =	vpop (xrf0)  }
0x22: {  	v11 =	vxor.u32 $0x80000000, v10;
	v12, _, _ =	vpop (xrf0)  }
0x23: {  	(xrf0) =	vmax.scan.msk.u32 $0xffff, v11;
	v11 =	vxor.u32 $0x80000000, v12  }
0x24: {  	(xrf0) =	vmax.scan.msk.u32 $0xffff, v11;
	v11 =	vmov s6  }
0x25: {  	v11 =	vadd.s32 $0xFFFFFFFF, v11  }
0x26: {  	v11 =	vbroadcast v11, $0x0;
	_ =	sdelay $0x1  }
0x27: {  	v10 =	vadd.s32 v10, v11;
	_ =	sdelay $0x1  }
0x28: {  	v11 =	vadd.s32 v12, v11  }
0x29: {  	v13, _, _ =	vpop (xrf0)  }
0x2a: {  	v63 =	vor.u32 s6, v4;
	(v2sf) =	vpush v13, $0xF;
	v62, _, _ =	vpop (xrf0)  }
0x2b: {  	v9 =	vadd.s32 $0xFFFFFD00, v9;
	(v2sf) =	vpush v62, $0xF;
	[tilespmem:v10+s16+$0x0] =	vst.idx.msk vm1, v63  }
0x2c: {  	[tilespmem:v10+s17+$0x0] =	vst.idx.msk vm1, v9  }
0x2d: {  	s1 =	simm.s32 $0x10;
	[tilespmem:v11+s18+$0x0] =	vst.idx.msk vm2, v63  }
0x2e: {  	v9 =	vld [tilespmem:s1+$0x0];
	_ =	sdelay $0x4  }
0x2f: {  	vm2 =	vgt.s32 v9, $0x2FF  }
0x30: {  	vm1 =	vle.s32 v9, $0x2FF;
	v10 =	vsel vm2, $0x1, v5  }
0x31: {  	v11 =	vsel vm1, $0x1, v5;
	(xrf0) =	vadd.scan.msk.s32 $0xffff, v10  }
0x32: {  	(xrf0) =	vadd.scan.msk.s32 $0xffff, v11;
	_ =	sdelay $0x2  }
0x33: {  	s3 =	simm.s32 $0x20;
	s4 =	simm.s32 $0x10;
	s26 =	spop (v2sf)  }
0x34: {  	s2 =	simm.s32 $0x0;
	s29 =	sadd.s32 $0x0, s26;
	s30 =	spop (v2sf)  }
.LBB2_2:
0x35: {  	p0 =	sne.s32 s3, $0x3F0;
	v10, _, _ =	vpop (xrf0);
	s29 =	sadd.s32 $0x80000000, s29;
	s2 =	sadd.s32 s30, s2  }
0x36: {  	s30 =	smov.u32 s3;
	s3 =	sadd.s32 $0x10, s3;
	v11 =	vmov s29;
	v12 =	vxor.u32 $0x80000000, v10;
	v13, _, _ =	vpop (xrf0);
	s2 =	sadd.s32 $0x80000000, s2  }
0x37: {  	v11 =	vadd.s32 $0xFFFFFFFF, v11;
	v14 =	vmov s2;
	v15 =	vxor.u32 $0x80000000, v13;
	(xrf0) =	vmax.scan.msk.u32 $0xffff, v12  }
0x38: {  	v11 =	vbroadcast v11, $0x0;
	v12 =	vadd.s32 $0xFFFFFFFF, v14;
	(xrf0) =	vmax.scan.msk.u32 $0xffff, v15  }
0x39: {  	v12 =	vbroadcast v12, $0x0  }
0x3a: {  	v10 =	vadd.s32 v10, v11  }
0x3b: {  	v11 =	vadd.s32 v13, v12;
	_ =	sdelay $0x1  }
0x3c: {  	v12, _, _ =	vpop (xrf0)  }
0x3d: {  	v13 =	vor.u32 s1, v4;
	s1 =	smov.u32 s30;
	(v2sf) =	vpush v12, $0xF;
	v12, _, _ =	vpop (xrf0)  }
0x3e: {  	v9 =	vadd.s32 $0xFFFFFD00, v9;
	[tilespmem:v10+s16+$0x0] =	vst.idx.msk vm2, v13;
	(v2sf) =	vpush v12, $0xF  }
0x3f: {  	[tilespmem:v10+s17+$0x0] =	vst.idx.msk vm2, v9  }
0x40: {  	s4 =	sadd.s32 $0x10, s4;
	[tilespmem:v11+s18+$0x0] =	vst.idx.msk vm1, v13  }
0x41: {  	v9 =	vld [tilespmem:s4+$0x0];
	_ =	sdelay $0x4  }
0x42: {  	vm1 =	vle.s32 v9, $0x2FF;
	vm2 =	vgt.s32 v9, $0x2FF  }
0x43: {  	v10 =	vsel vm2, $0x1, v5;
	v11 =	vsel vm1, $0x1, v5  }
0x44: {  	(xrf0) =	vadd.scan.msk.s32 $0xffff, v10  }
.Ltmp0:
0x45: {  	(xrf0) =	vadd.scan.msk.s32 $0xffff, v11;
	(pc) =	sbr.rel @p0 .LBB2_2-.Ltmp0, $3  }
0x46: {  	_ =	sdelay $0x1  }
0x47: {  	s30 =	spop (v2sf)  }
0x48: {  	s29 =	sadd.s32 s30, s29;
	s30 =	spop (v2sf)  }
0x49: {  	v10, _, _ =	vpop (xrf0)  }
0x4a: {  	v11 =	vxor.u32 $0x80000000, v10  }
0x4b: {  	(xrf0) =	vmax.scan.msk.u32 $0xffff, v11;
	_ =	sdelay $0x1  }
0x4c: {  	v11, _, _ =	vpop (xrf0)  }
0x4d: {  	v12 =	vxor.u32 $0x80000000, v11  }
0x4e: {  	(xrf0) =	vmax.scan.msk.u32 $0xffff, v12;
	_ =	sdelay $0x1  }
0x4f: {  	v57, _, _ =	vpop (xrf0)  }
0x50: {  	(v2sf) =	vpush v57, $0xF;
	_ =	sdelay $0x2  }
0x51: {  	v58, _, _ =	vpop (xrf0)  }
0x52: {  	(v2sf) =	vpush v58, $0xF;
	_ =	sdelay $0xa  }
0x53: {  	s3 =	sadd.s32 $0x80000000, s29;
	s4 =	spop (v2sf)  }
0x54: {  	s2 =	sadd.s32 s30, s2;
	v59 =	vmov s3;
	s3 =	sadd.s32 s4, s3  }
0x55: {  	s2 =	sadd.s32 $0x80000000, s2;
	v12 =	vadd.s32 $0xFFFFFFFF, v59;
	s30 =	sadd.s32 $0x80000000, s3  }
0x56: {  	v13 =	vmov s2;
	v12 =	vbroadcast v12, $0x0;
	s3 =	sadd.s32 $0xFFFFFFFF, s30  }
0x57: {  	v13 =	vadd.s32 $0xFFFFFFFF, v13;
	s21 =	spop (v2sf);
	p0 =	sgt.s32 s3, $0x0  }
0x58: {  	v13 =	vbroadcast v13, $0x0;
	v10 =	vadd.s32 v10, v12;
	s2 =	sadd.s32 s21, s2;
	s3 =	simm.s32 @!p0 $0x0  }
0x59: {  	s29 =	sadd.s32 $0x80000000, s2;
	v60 =	vmov s3  }
0x5a: {  	v11 =	vadd.s32 v11, v13;
	v12 =	vbroadcast v60, $0x0;
	s2 =	sadd.s32 $0xFFFFFFFF, s29  }
0x5b: {  	p0 =	sgt.s32 s2, $0x0  }
0x5c: {  	v61 =	vor.u32 s1, v4;
	s2 =	simm.s32 @!p0 $0x0  }
0x5d: {  	v9 =	vadd.s32 $0xFFFFFD00, v9;
	[tilespmem:v10+s16+$0x0] =	vst.idx.msk vm2, v61;
	v14 =	vmov s2  }
0x5e: {  	[tilespmem:v10+s17+$0x0] =	vst.idx.msk vm2, v9;
	v9 =	vbroadcast v14, $0x0  }
0x5f: {  	[tilespmem:v11+s18+$0x0] =	vst.idx.msk vm1, v61  }
0x60: {  	v11 =	vadd.s32 s30, v4;
	v10 =	vld.idx.msk [tilespmem:v12+s16+$0x0], $0xffff  }
0x61: {  	s22 =	sadd.s32 $0x10, s30;
	v12 =	vld.idx.msk [tilespmem:v12+s17+$0x0], $0xffff  }
0x62: {  	v62 =	vadd.s32 s22, v4;
	_ =	sdelay $0x1  }
0x63: {  	v63 =	vadd.s32 s29, v4;
	s23 =	sadd.s32 $0x10, s29;
	v9 =	vld.idx.msk [tilespmem:v9+s18+$0x0], $0xffff  }
0x64: {  	s24 =	sadd.s32 $0x20, s29;
	v15 =	vadd.s32 s23, v4;
	[tilespmem:v11+s16+$0x0] =	vst.idx.msk $0xffff, v10  }
0x65: {  	s25 =	sadd.s32 $0x30, s29;
	[tilespmem:v11+s17+$0x0] =	vst.idx.msk $0xffff, v12;
	v11 =	vadd.s32 s24, v4  }
0x66: {  	[tilespmem:v62+s16+$0x0] =	vst.idx.msk $0xffff, v10;
	v10 =	vadd.s32 s25, v4  }
0x67: {  	[tilespmem:v62+s17+$0x0] =	vst.idx.msk $0xffff, v12  }
0x68: {  	[tilespmem:v63+s18+$0x0] =	vst.idx.msk $0xffff, v9  }
0x69: {  	[tilespmem:v15+s18+$0x0] =	vst.idx.msk $0xffff, v9  }
.Ltmp1:
0x6a: {  	[tilespmem:v11+s18+$0x0] =	vst.idx.msk $0xffff, v9;
	(pc) =	sbr.rel .LBB2_4-.Ltmp1, $4  }
0x6b: {  	s26 =	simm.s32 $0x1;
	[tilespmem:v10+s18+$0x0] =	vst.idx.msk $0xffff, v9  }
0x6c: {  	_ =	swait.ge [sflag:s26], $0xC000  }
0x6d: {  	s1 =	simm.s32 $0x0;
	s4 =	simm.s32 $0x2980;
	[sflag:s26] =	ssyncset.done $0x0  }
0x6e: {  	s3 =	simm.s32 $0xD20;
	s2 =	simm.s32 $0x1D1A0;
	[sflag:s26] =	ssyncadd.s32 $0xFFFF4000  }
.LBB2_6:
0x6f: {  	s1 =	sadd.s32 $0x40, s1  }
0x70: {  	p0 =	sne.s32 s1, $0x400  }
.Ltmp2:
0x71: {  	_ = 	snop;
	(pc) =	sbr.rel @!p0 .LBB2_7-.Ltmp2, $2  }
0x72: {  	_ =	sdelay $0x2  }
0x73: {  	s2 =	sadd.s32 $0x80, s2;
	s3 =	sadd.s32 $0x40, s3  }
.LBB2_4:
0x74: {  	p0 =	sge.s32 s1, s29  }
.Ltmp3:
0x75: {  	_ = 	snop;
	(pc) =	sbr.rel @p0 .LBB2_6-.Ltmp3, $1  }
0x76: {  	_ =	sdelay $0x3  }
0x77: {  	v9 =	vld [tilespmem:s3+$0xFFFFFFE0];
	_ =	sdelay $0x4  }
0x78: {  	v10 =	vadd.s32 v0, v9  }
0x79: {  	[tilespmem:s2+$0xFFFFFFE0] =	vst v10  }
0x7a: {  	v11 =	vld [tilespmem:s3+$0xFFFFFFF0];
	_ =	sdelay $0x4  }
0x7b: {  	v11 =	vadd.s32 v0, v11  }
0x7c: {  	[tilespmem:s2+$0xFFFFFFF0] =	vst v11  }
0x7d: {  	v11 =	vld [tilespmem:s3+$0x0];
	_ =	sdelay $0x2  }
0x7e: {  	v10 =	vshrl.u32 v10, $0x3  }
0x7f: {  	v10 =	vmul.u32 $0x30, v10  }
0x80: {  	v9 =	vand.u32 $0x7, v9;
	v11 =	vadd.s32 v0, v11  }
0x81: {  	v9 =	vor.u32 v9, v10;
	[tilespmem:s2+$0x0] =	vst v11  }
0x82: {  	v11 =	vperm.xlane v9, v6;
	v10 =	vld [tilespmem:s3+$0x10];
	_ =	sdelay $0x1  }
0x83: {  	v11 =	vadd.s32 v7, v11;
	_ =	sdelay $0x2  }
0x84: {  	v10 =	vadd.s32 v0, v10  }
0x85: {  	v9 =	vperm.xlane v9, v8;
	[tilespmem:s2+$0x10] =	vst v10  }
0x86: {  	[hbm4b:s5+s6] =	stream.indirect_vreg.scatter [tilespmem:s7], [sflag:$0x1], $0x80, v11, vm0, $0xb8;
	[tilespmem:$0x1E180] =	vst v63  }
0x87: {  	v9 =	vadd.s32 v7, v9  }
0x88: {  	[hbm4b:s8+s6] =	stream.indirect_vreg.scatter [tilespmem:s15], [sflag:$0x1], $0x80, v11, vm0, $0xb8;
	[tilespmem:$0x1E180] =	vst v63  }
0x89: {  	_ = 	snop  }
0x8a: {  	[hbm4b:s9+s6] =	stream.indirect_vreg.scatter [tilespmem:s31], [sflag:$0x1], $0x80, v11, vm0, $0xb8;
	[tilespmem:$0x1E180] =	vst v63  }
0x8b: {  	_ = 	snop  }
0x8c: {  	[hbm4b:s5+s6] =	stream.indirect_vreg.scatter [tilespmem:s4], [sflag:$0x1], $0x80, v9, vm0, $0xb8;
	[tilespmem:$0x1E180] =	vst v63  }
0x8d: {  	s12 =	simm.s32 $0x3180  }
0x8e: {  	[hbm4b:s8+s6] =	stream.indirect_vreg.scatter [tilespmem:s12], [sflag:$0x1], $0x80, v9, vm0, $0xb8;
	[tilespmem:$0x1E180] =	vst v63  }
0x8f: {  	s26 =	simm.s32 $0x3980  }
0x90: {  	[hbm4b:s9+s6] =	stream.indirect_vreg.scatter [tilespmem:s26], [sflag:$0x1], $0x80, v9, vm0, $0xb8;
	[tilespmem:$0x1E180] =	vst v63  }
0x91: {  	v9 =	vld [tilespmem:s2+$0xFFFFFFF0];
	_ =	sdelay $0x4  }
0x92: {  	v10 =	vshrl.u32 v9, $0x3  }
0x93: {  	v10 =	vmul.u32 $0x30, v10  }
0x94: {  	v9 =	vand.u32 $0x7, v9  }
0x95: {  	v9 =	vor.u32 v9, v10  }
0x96: {  	v10 =	vperm.xlane v9, v6;
	_ =	sdelay $0x1  }
0x97: {  	v10 =	vadd.s32 v7, v10;
	_ =	sdelay $0x3  }
0x98: {  	s13 =	simm.s32 $0x4180;
	v9 =	vperm.xlane v9, v8  }
0x99: {  	[hbm4b:s5+s6] =	stream.indirect_vreg.scatter [tilespmem:s13], [sflag:$0x1], $0x80, v10, vm0, $0xb8;
	[tilespmem:$0x1E180] =	vst v63  }
0x9a: {  	s19 =	simm.s32 $0x4980;
	v9 =	vadd.s32 v7, v9  }
0x9b: {  	[hbm4b:s8+s6] =	stream.indirect_vreg.scatter [tilespmem:s19], [sflag:$0x1], $0x80, v10, vm0, $0xb8;
	[tilespmem:$0x1E180] =	vst v63  }
0x9c: {  	s20 =	simm.s32 $0x5180  }
0x9d: {  	[hbm4b:s9+s6] =	stream.indirect_vreg.scatter [tilespmem:s20], [sflag:$0x1], $0x80, v10, vm0, $0xb8;
	[tilespmem:$0x1E180] =	vst v63  }
0x9e: {  	s21 =	simm.s32 $0x5980  }
0x9f: {  	[hbm4b:s5+s6] =	stream.indirect_vreg.scatter [tilespmem:s21], [sflag:$0x1], $0x80, v9, vm0, $0xb8;
	[tilespmem:$0x1E180] =	vst v63  }
0xa0: {  	s22 =	simm.s32 $0x6180  }
0xa1: {  	[hbm4b:s8+s6] =	stream.indirect_vreg.scatter [tilespmem:s22], [sflag:$0x1], $0x80, v9, vm0, $0xb8;
	[tilespmem:$0x1E180] =	vst v63  }
0xa2: {  	s23 =	simm.s32 $0x6980  }
0xa3: {  	[hbm4b:s9+s6] =	stream.indirect_vreg.scatter [tilespmem:s23], [sflag:$0x1], $0x80, v9, vm0, $0xb8;
	[tilespmem:$0x1E180] =	vst v63  }
0xa4: {  	v9 =	vld [tilespmem:s2+$0x0];
	_ =	sdelay $0x4  }
0xa5: {  	v10 =	vshrl.u32 v9, $0x3  }
0xa6: {  	v10 =	vmul.u32 $0x30, v10  }
0xa7: {  	v9 =	vand.u32 $0x7, v9  }
0xa8: {  	v9 =	vor.u32 v9, v10  }
0xa9: {  	v10 =	vperm.xlane v9, v6;
	_ =	sdelay $0x1  }
0xaa: {  	v10 =	vadd.s32 v7, v10;
	_ =	sdelay $0x3  }
0xab: {  	s24 =	simm.s32 $0x7180;
	v9 =	vperm.xlane v9, v8  }
0xac: {  	[hbm4b:s5+s6] =	stream.indirect_vreg.scatter [tilespmem:s24], [sflag:$0x1], $0x80, v10, vm0, $0xb8;
	[tilespmem:$0x1E180] =	vst v63  }
0xad: {  	s25 =	simm.s32 $0x7980;
	v9 =	vadd.s32 v7, v9  }
0xae: {  	[hbm4b:s8+s6] =	stream.indirect_vreg.scatter [tilespmem:s25], [sflag:$0x1], $0x80, v10, vm0, $0xb8;
	[tilespmem:$0x1E180] =	vst v63  }
0xaf: {  	s26 =	simm.s32 $0x8180  }
0xb0: {  	[hbm4b:s9+s6] =	stream.indirect_vreg.scatter [tilespmem:s26], [sflag:$0x1], $0x80, v10, vm0, $0xb8;
	[tilespmem:$0x1E180] =	vst v63  }
0xb1: {  	s13 =	simm.s32 $0x8980  }
0xb2: {  	[hbm4b:s5+s6] =	stream.indirect_vreg.scatter [tilespmem:s13], [sflag:$0x1], $0x80, v9, vm0, $0xb8;
	[tilespmem:$0x1E180] =	vst v63  }
0xb3: {  	s19 =	simm.s32 $0x9180  }
0xb4: {  	[hbm4b:s8+s6] =	stream.indirect_vreg.scatter [tilespmem:s19], [sflag:$0x1], $0x80, v9, vm0, $0xb8;
	[tilespmem:$0x1E180] =	vst v63  }
0xb5: {  	s20 =	simm.s32 $0x9980  }
0xb6: {  	[hbm4b:s9+s6] =	stream.indirect_vreg.scatter [tilespmem:s20], [sflag:$0x1], $0x80, v9, vm0, $0xb8;
	[tilespmem:$0x1E180] =	vst v63  }
0xb7: {  	v9 =	vld [tilespmem:s2+$0x10];
	_ =	sdelay $0x4  }
0xb8: {  	v10 =	vshrl.u32 v9, $0x3  }
0xb9: {  	v10 =	vmul.u32 $0x30, v10  }
0xba: {  	v9 =	vand.u32 $0x7, v9  }
0xbb: {  	v9 =	vor.u32 v9, v10  }
0xbc: {  	v10 =	vperm.xlane v9, v6;
	_ =	sdelay $0x1  }
0xbd: {  	v10 =	vadd.s32 v7, v10;
	_ =	sdelay $0x3  }
0xbe: {  	s21 =	simm.s32 $0xA180;
	v9 =	vperm.xlane v9, v8  }
0xbf: {  	[hbm4b:s5+s6] =	stream.indirect_vreg.scatter [tilespmem:s21], [sflag:$0x1], $0x80, v10, vm0, $0xb8;
	[tilespmem:$0x1E180] =	vst v63  }
0xc0: {  	s22 =	simm.s32 $0xA980;
	v9 =	vadd.s32 v7, v9  }
0xc1: {  	[hbm4b:s8+s6] =	stream.indirect_vreg.scatter [tilespmem:s22], [sflag:$0x1], $0x80, v10, vm0, $0xb8;
	[tilespmem:$0x1E180] =	vst v63  }
0xc2: {  	s23 =	simm.s32 $0xB180  }
0xc3: {  	[hbm4b:s9+s6] =	stream.indirect_vreg.scatter [tilespmem:s23], [sflag:$0x1], $0x80, v10, vm0, $0xb8;
	[tilespmem:$0x1E180] =	vst v63  }
0xc4: {  	s24 =	simm.s32 $0xB980  }
0xc5: {  	[hbm4b:s5+s6] =	stream.indirect_vreg.scatter [tilespmem:s24], [sflag:$0x1], $0x80, v9, vm0, $0xb8;
	[tilespmem:$0x1E180] =	vst v63  }
.Ltmp4:
0xc6: {  	_ = 	snop;
	(pc) =	sbr.rel .LBB2_6-.Ltmp4, $4  }
0xc7: {  	s25 =	simm.s32 $0xC180  }
0xc8: {  	[hbm4b:s8+s6] =	stream.indirect_vreg.scatter [tilespmem:s25], [sflag:$0x1], $0x80, v9, vm0, $0xb8;
	[tilespmem:$0x1E180] =	vst v63  }
0xc9: {  	s26 =	simm.s32 $0xC980  }
0xca: {  	[hbm4b:s9+s6] =	stream.indirect_vreg.scatter [tilespmem:s26], [sflag:$0x1], $0x80, v9, vm0, $0xb8;
	[tilespmem:$0x1E180] =	vst v63  }
.LBB2_7:
.Ltmp5:
0xcb: {  	(pc) =	sbr.rel .LBB2_8-.Ltmp5, $2  }
0xcc: {  	_ =	sdelay $0x2  }
0xcd: {  	s1 =	simm.s32 $0x0;
	s2 =	simm.s32 $0x1D9B0;
	s3 =	simm.s32 $0xD20  }
.LBB2_10:
0xce: {  	s1 =	sadd.s32 $0x40, s1  }
0xcf: {  	p0 =	sne.s32 s1, $0x400  }
.Ltmp6:
0xd0: {  	_ = 	snop;
	(pc) =	sbr.rel @!p0 .LBB2_11-.Ltmp6, $2  }
0xd1: {  	_ =	sdelay $0x2  }
0xd2: {  	s2 =	sadd.s32 $0x80, s2;
	s3 =	sadd.s32 $0x40, s3  }
.LBB2_8:
0xd3: {  	p0 =	sge.s32 s1, s29  }
.Ltmp7:
0xd4: {  	_ = 	snop;
	(pc) =	sbr.rel @p0 .LBB2_10-.Ltmp7, $1  }
0xd5: {  	_ =	sdelay $0x3  }
0xd6: {  	v9 =	vld [tilespmem:s3+$0xFFFFFFE0];
	_ =	sdelay $0x4  }
0xd7: {  	v10 =	vadd.s32 v1, v9  }
0xd8: {  	[tilespmem:s2+$0xFFFFFFD0] =	vst v10  }
0xd9: {  	v11 =	vld [tilespmem:s3+$0xFFFFFFF0];
	_ =	sdelay $0x4  }
0xda: {  	v11 =	vadd.s32 v1, v11  }
0xdb: {  	[tilespmem:s2+$0xFFFFFFE0] =	vst v11  }
0xdc: {  	v11 =	vld [tilespmem:s3+$0x0];
	_ =	sdelay $0x2  }
0xdd: {  	v10 =	vshrl.u32 v10, $0x3  }
0xde: {  	v10 =	vmul.u32 $0x30, v10  }
0xdf: {  	v9 =	vand.u32 $0x7, v9;
	v11 =	vadd.s32 v1, v11  }
0xe0: {  	v9 =	vor.u32 v9, v10;
	[tilespmem:s2+$0xFFFFFFF0] =	vst v11  }
0xe1: {  	v11 =	vperm.xlane v9, v6;
	v10 =	vld [tilespmem:s3+$0x10];
	_ =	sdelay $0x1  }
0xe2: {  	v11 =	vadd.s32 v7, v11;
	_ =	sdelay $0x2  }
0xe3: {  	v10 =	vadd.s32 v1, v10  }
0xe4: {  	v9 =	vperm.xlane v9, v8;
	[tilespmem:s2+$0x0] =	vst v10  }
0xe5: {  	[hbm4b:s5+s6] =	stream.indirect_vreg.scatter [tilespmem:s7], [sflag:$0x1], $0x80, v11, vm0, $0xb8;
	[tilespmem:$0x1E180] =	vst v63  }
0xe6: {  	v9 =	vadd.s32 v7, v9  }
0xe7: {  	[hbm4b:s8+s6] =	stream.indirect_vreg.scatter [tilespmem:s15], [sflag:$0x1], $0x80, v11, vm0, $0xb8;
	[tilespmem:$0x1E180] =	vst v63  }
0xe8: {  	_ = 	snop  }
0xe9: {  	[hbm4b:s9+s6] =	stream.indirect_vreg.scatter [tilespmem:s31], [sflag:$0x1], $0x80, v11, vm0, $0xb8;
	[tilespmem:$0x1E180] =	vst v63  }
0xea: {  	_ = 	snop  }
0xeb: {  	[hbm4b:s5+s6] =	stream.indirect_vreg.scatter [tilespmem:s4], [sflag:$0x1], $0x80, v9, vm0, $0xb8;
	[tilespmem:$0x1E180] =	vst v63  }
0xec: {  	s12 =	simm.s32 $0x3180  }
0xed: {  	[hbm4b:s8+s6] =	stream.indirect_vreg.scatter [tilespmem:s12], [sflag:$0x1], $0x80, v9, vm0, $0xb8;
	[tilespmem:$0x1E180] =	vst v63  }
0xee: {  	s26 =	simm.s32 $0x3980  }
0xef: {  	[hbm4b:s9+s6] =	stream.indirect_vreg.scatter [tilespmem:s26], [sflag:$0x1], $0x80, v9, vm0, $0xb8;
	[tilespmem:$0x1E180] =	vst v63  }
0xf0: {  	v9 =	vld [tilespmem:s2+$0xFFFFFFE0];
	_ =	sdelay $0x4  }
0xf1: {  	v10 =	vshrl.u32 v9, $0x3  }
0xf2: {  	v10 =	vmul.u32 $0x30, v10  }
0xf3: {  	v9 =	vand.u32 $0x7, v9  }
0xf4: {  	v9 =	vor.u32 v9, v10  }
0xf5: {  	v10 =	vperm.xlane v9, v6;
	_ =	sdelay $0x1  }
0xf6: {  	v10 =	vadd.s32 v7, v10;
	_ =	sdelay $0x3  }
0xf7: {  	s13 =	simm.s32 $0x4180;
	v9 =	vperm.xlane v9, v8  }
0xf8: {  	[hbm4b:s5+s6] =	stream.indirect_vreg.scatter [tilespmem:s13], [sflag:$0x1], $0x80, v10, vm0, $0xb8;
	[tilespmem:$0x1E180] =	vst v63  }
0xf9: {  	s19 =	simm.s32 $0x4980;
	v9 =	vadd.s32 v7, v9  }
0xfa: {  	[hbm4b:s8+s6] =	stream.indirect_vreg.scatter [tilespmem:s19], [sflag:$0x1], $0x80, v10, vm0, $0xb8;
	[tilespmem:$0x1E180] =	vst v63  }
0xfb: {  	s20 =	simm.s32 $0x5180  }
0xfc: {  	[hbm4b:s9+s6] =	stream.indirect_vreg.scatter [tilespmem:s20], [sflag:$0x1], $0x80, v10, vm0, $0xb8;
	[tilespmem:$0x1E180] =	vst v63  }
0xfd: {  	s21 =	simm.s32 $0x5980  }
0xfe: {  	[hbm4b:s5+s6] =	stream.indirect_vreg.scatter [tilespmem:s21], [sflag:$0x1], $0x80, v9, vm0, $0xb8;
	[tilespmem:$0x1E180] =	vst v63  }
0xff: {  	s22 =	simm.s32 $0x6180  }
0x100: {  	[hbm4b:s8+s6] =	stream.indirect_vreg.scatter [tilespmem:s22], [sflag:$0x1], $0x80, v9, vm0, $0xb8;
	[tilespmem:$0x1E180] =	vst v63  }
0x101: {  	s23 =	simm.s32 $0x6980  }
0x102: {  	[hbm4b:s9+s6] =	stream.indirect_vreg.scatter [tilespmem:s23], [sflag:$0x1], $0x80, v9, vm0, $0xb8;
	[tilespmem:$0x1E180] =	vst v63  }
0x103: {  	v9 =	vld [tilespmem:s2+$0xFFFFFFF0];
	_ =	sdelay $0x4  }
0x104: {  	v10 =	vshrl.u32 v9, $0x3  }
0x105: {  	v10 =	vmul.u32 $0x30, v10  }
0x106: {  	v9 =	vand.u32 $0x7, v9  }
0x107: {  	v9 =	vor.u32 v9, v10  }
0x108: {  	v10 =	vperm.xlane v9, v6;
	_ =	sdelay $0x1  }
0x109: {  	v10 =	vadd.s32 v7, v10;
	_ =	sdelay $0x3  }
0x10a: {  	s24 =	simm.s32 $0x7180;
	v9 =	vperm.xlane v9, v8  }
0x10b: {  	[hbm4b:s5+s6] =	stream.indirect_vreg.scatter [tilespmem:s24], [sflag:$0x1], $0x80, v10, vm0, $0xb8;
	[tilespmem:$0x1E180] =	vst v63  }
0x10c: {  	s25 =	simm.s32 $0x7980;
	v9 =	vadd.s32 v7, v9  }
0x10d: {  	[hbm4b:s8+s6] =	stream.indirect_vreg.scatter [tilespmem:s25], [sflag:$0x1], $0x80, v10, vm0, $0xb8;
	[tilespmem:$0x1E180] =	vst v63  }
0x10e: {  	s26 =	simm.s32 $0x8180  }
0x10f: {  	[hbm4b:s9+s6] =	stream.indirect_vreg.scatter [tilespmem:s26], [sflag:$0x1], $0x80, v10, vm0, $0xb8;
	[tilespmem:$0x1E180] =	vst v63  }
0x110: {  	s13 =	simm.s32 $0x8980  }
0x111: {  	[hbm4b:s5+s6] =	stream.indirect_vreg.scatter [tilespmem:s13], [sflag:$0x1], $0x80, v9, vm0, $0xb8;
	[tilespmem:$0x1E180] =	vst v63  }
0x112: {  	s19 =	simm.s32 $0x9180  }
0x113: {  	[hbm4b:s8+s6] =	stream.indirect_vreg.scatter [tilespmem:s19], [sflag:$0x1], $0x80, v9, vm0, $0xb8;
	[tilespmem:$0x1E180] =	vst v63  }
0x114: {  	s20 =	simm.s32 $0x9980  }
0x115: {  	[hbm4b:s9+s6] =	stream.indirect_vreg.scatter [tilespmem:s20], [sflag:$0x1], $0x80, v9, vm0, $0xb8;
	[tilespmem:$0x1E180] =	vst v63  }
0x116: {  	v9 =	vld [tilespmem:s2+$0x0];
	_ =	sdelay $0x4  }
0x117: {  	v10 =	vshrl.u32 v9, $0x3  }
0x118: {  	v10 =	vmul.u32 $0x30, v10  }
0x119: {  	v9 =	vand.u32 $0x7, v9  }
0x11a: {  	v9 =	vor.u32 v9, v10  }
0x11b: {  	v10 =	vperm.xlane v9, v6;
	_ =	sdelay $0x1  }
0x11c: {  	v10 =	vadd.s32 v7, v10;
	_ =	sdelay $0x3  }
0x11d: {  	s21 =	simm.s32 $0xA180;
	v9 =	vperm.xlane v9, v8  }
0x11e: {  	[hbm4b:s5+s6] =	stream.indirect_vreg.scatter [tilespmem:s21], [sflag:$0x1], $0x80, v10, vm0, $0xb8;
	[tilespmem:$0x1E180] =	vst v63  }
0x11f: {  	s22 =	simm.s32 $0xA980;
	v9 =	vadd.s32 v7, v9  }
0x120: {  	[hbm4b:s8+s6] =	stream.indirect_vreg.scatter [tilespmem:s22], [sflag:$0x1], $0x80, v10, vm0, $0xb8;
	[tilespmem:$0x1E180] =	vst v63  }
0x121: {  	s23 =	simm.s32 $0xB180  }
0x122: {  	[hbm4b:s9+s6] =	stream.indirect_vreg.scatter [tilespmem:s23], [sflag:$0x1], $0x80, v10, vm0, $0xb8;
	[tilespmem:$0x1E180] =	vst v63  }
0x123: {  	s24 =	simm.s32 $0xB980  }
0x124: {  	[hbm4b:s5+s6] =	stream.indirect_vreg.scatter [tilespmem:s24], [sflag:$0x1], $0x80, v9, vm0, $0xb8;
	[tilespmem:$0x1E180] =	vst v63  }
.Ltmp8:
0x125: {  	_ = 	snop;
	(pc) =	sbr.rel .LBB2_10-.Ltmp8, $4  }
0x126: {  	s25 =	simm.s32 $0xC180  }
0x127: {  	[hbm4b:s8+s6] =	stream.indirect_vreg.scatter [tilespmem:s25], [sflag:$0x1], $0x80, v9, vm0, $0xb8;
	[tilespmem:$0x1E180] =	vst v63  }
0x128: {  	s26 =	simm.s32 $0xC980  }
0x129: {  	[hbm4b:s9+s6] =	stream.indirect_vreg.scatter [tilespmem:s26], [sflag:$0x1], $0x80, v9, vm0, $0xb8;
	[tilespmem:$0x1E180] =	vst v63  }
.LBB2_11:
.Ltmp9:
0x12a: {  	(pc) =	sbr.rel .LBB2_12-.Ltmp9, $3  }
0x12b: {  	_ =	sdelay $0x1  }
0x12c: {  	s31 =	simm.s32 $0x0;
	s1 =	simm.s32 $0x1B210  }
0x12d: {  	s2 =	simm.s32 $0x19210;
	s3 =	simm.s32 $0x8A0;
	s4 =	simm.s32 $0x420  }
.LBB2_16:
0x12e: {  	s31 =	sadd.s32 $0x40, s31  }
0x12f: {  	p0 =	sne.s32 s31, $0x400  }
.Ltmp10:
0x130: {  	_ = 	snop;
	(pc) =	sbr.rel @!p0 .LBB2_17-.Ltmp10, $3  }
0x131: {  	_ =	sdelay $0x1  }
0x132: {  	s1 =	sadd.s32 $0x100, s1  }
0x133: {  	s2 =	sadd.s32 $0x100, s2;
	s3 =	sadd.s32 $0x40, s3;
	s4 =	sadd.s32 $0x40, s4  }
.LBB2_12:
0x134: {  	p0 =	seq.s32 s31, $0x0  }
0x135: {  	p2 =	sge.s32 s31, s30;
	p1 =	sge.s32 @!p0 s31, s30  }
.Ltmp11:
0x136: {  	p1 =	por p1, p0;
	(pc) =	sbr.rel @p2 .LBB2_14-.Ltmp11, $4  }
0x137: {  	s15 =	simm.s32 @!p1 $0x2  }
0x138: {  	_ =	swait.ge @!p1 [sflag:s15], $0x6000  }
0x139: {  	[sflag:s15] =	ssyncset.done @!p1 $0x0  }
0x13a: {  	[sflag:s15] =	ssyncadd.s32 @!p1 $0xFFFFA000  }
0x13b: {  	v9 =	vld [tilespmem:s3+$0xFFFFFFE0];
	_ =	sdelay $0x4  }
0x13c: {  	v9 =	vadd.s32 v2, v9  }
0x13d: {  	[tilespmem:s2+$0xFFFFFF70] =	vst v9  }
0x13e: {  	v9 =	vld [tilespmem:s4+$0xFFFFFFE0];
	_ =	sdelay $0x4  }
0x13f: {  	v9 =	vadd.s32 v0, v9  }
0x140: {  	[tilespmem:s1+$0xFFFFFF70] =	vst v9  }
0x141: {  	v9 =	vld [tilespmem:s3+$0xFFFFFFF0];
	_ =	sdelay $0x4  }
0x142: {  	v9 =	vadd.s32 v2, v9  }
0x143: {  	[tilespmem:s2+$0xFFFFFF80] =	vst v9  }
0x144: {  	v9 =	vld [tilespmem:s4+$0xFFFFFFF0];
	_ =	sdelay $0x4  }
0x145: {  	v9 =	vadd.s32 v0, v9  }
0x146: {  	[tilespmem:s1+$0xFFFFFF80] =	vst v9  }
0x147: {  	v9 =	vld [tilespmem:s2+$0xFFFFFF70];
	_ =	sdelay $0x4  }
0x148: {  	v10 =	vshrl.u32 v9, $0x3  }
0x149: {  	v10 =	vmul.u32 $0x30, v10  }
0x14a: {  	v9 =	vand.u32 $0x7, v9  }
0x14b: {  	v9 =	vor.u32 v9, v10  }
0x14c: {  	v10 =	vperm.xlane v9, v6;
	_ =	sdelay $0x1  }
0x14d: {  	v10 =	vadd.s32 v7, v10;
	_ =	sdelay $0x3  }
0x14e: {  	s7 =	simm.s32 $0xD180;
	v9 =	vperm.xlane v9, v8  }
0x14f: {  	[tilespmem:s7], [sflag:$0x4] =	stream.indirect_vreg.gather [hbm4b:s0+s6], $0x80, v10, vm0, $0xb8;
	[tilespmem:$0x1E180] =	vst v63  }
0x150: {  	s12 =	simm.s32 $0xD980;
	v9 =	vadd.s32 v7, v9  }
0x151: {  	[tilespmem:s12], [sflag:$0x4] =	stream.indirect_vreg.gather [hbm4b:s10+s6], $0x80, v10, vm0, $0xb8;
	[tilespmem:$0x1E180] =	vst v63  }
0x152: {  	s15 =	simm.s32 $0xE180  }
0x153: {  	[tilespmem:s15], [sflag:$0x4] =	stream.indirect_vreg.gather [hbm4b:s11+s6], $0x80, v10, vm0, $0xb8;
	[tilespmem:$0x1E180] =	vst v63  }
0x154: {  	s19 =	simm.s32 $0xE980  }
0x155: {  	[tilespmem:s19], [sflag:$0x4] =	stream.indirect_vreg.gather [hbm4b:s0+s6], $0x80, v9, vm0, $0xb8;
	[tilespmem:$0x1E180] =	vst v63  }
0x156: {  	s20 =	simm.s32 $0xF180  }
0x157: {  	[tilespmem:s20], [sflag:$0x4] =	stream.indirect_vreg.gather [hbm4b:s10+s6], $0x80, v9, vm0, $0xb8;
	[tilespmem:$0x1E180] =	vst v63  }
0x158: {  	s21 =	simm.s32 $0xF980  }
0x159: {  	[tilespmem:s21], [sflag:$0x4] =	stream.indirect_vreg.gather [hbm4b:s11+s6], $0x80, v9, vm0, $0xb8;
	[tilespmem:$0x1E180] =	vst v63  }
0x15a: {  	v9 =	vld [tilespmem:s2+$0xFFFFFF80];
	_ =	sdelay $0x4  }
0x15b: {  	v10 =	vshrl.u32 v9, $0x3  }
0x15c: {  	v10 =	vmul.u32 $0x30, v10  }
0x15d: {  	v9 =	vand.u32 $0x7, v9  }
0x15e: {  	v9 =	vor.u32 v9, v10  }
0x15f: {  	v10 =	vperm.xlane v9, v6;
	_ =	sdelay $0x1  }
0x160: {  	v10 =	vadd.s32 v7, v10;
	_ =	sdelay $0x3  }
0x161: {  	s13 =	simm.s32 $0x10180;
	v9 =	vperm.xlane v9, v8  }
0x162: {  	[tilespmem:s13], [sflag:$0x4] =	stream.indirect_vreg.gather [hbm4b:s0+s6], $0x80, v10, vm0, $0xb8;
	[tilespmem:$0x1E180] =	vst v63  }
0x163: {  	s22 =	simm.s32 $0x10980;
	v9 =	vadd.s32 v7, v9  }
0x164: {  	[tilespmem:s22], [sflag:$0x4] =	stream.indirect_vreg.gather [hbm4b:s10+s6], $0x80, v10, vm0, $0xb8;
	[tilespmem:$0x1E180] =	vst v63  }
0x165: {  	s23 =	simm.s32 $0x11180  }
0x166: {  	[tilespmem:s23], [sflag:$0x4] =	stream.indirect_vreg.gather [hbm4b:s11+s6], $0x80, v10, vm0, $0xb8;
	[tilespmem:$0x1E180] =	vst v63  }
0x167: {  	s24 =	simm.s32 $0x11980  }
0x168: {  	[tilespmem:s24], [sflag:$0x4] =	stream.indirect_vreg.gather [hbm4b:s0+s6], $0x80, v9, vm0, $0xb8;
	[tilespmem:$0x1E180] =	vst v63  }
0x169: {  	s25 =	simm.s32 $0x12180  }
0x16a: {  	[tilespmem:s25], [sflag:$0x4] =	stream.indirect_vreg.gather [hbm4b:s10+s6], $0x80, v9, vm0, $0xb8;
	[tilespmem:$0x1E180] =	vst v63  }
0x16b: {  	s26 =	simm.s32 $0x12980  }
0x16c: {  	[tilespmem:s26], [sflag:$0x4] =	stream.indirect_vreg.gather [hbm4b:s11+s6], $0x80, v9, vm0, $0xb8;
	[tilespmem:$0x1E180] =	vst v63  }
0x16d: {  	_ =	swait.ge [sflag:s14], $0x6000  }
0x16e: {  	[sflag:s14] =	ssyncset.done $0x0  }
0x16f: {  	[sflag:s14] =	ssyncadd.s32 $0xFFFFA000  }
0x170: {  	v9 =	vld [tilespmem:s1+$0xFFFFFF70];
	_ =	sdelay $0x4  }
0x171: {  	v10 =	vshrl.u32 v9, $0x3  }
0x172: {  	v10 =	vmul.u32 $0x30, v10  }
0x173: {  	v9 =	vand.u32 $0x7, v9  }
0x174: {  	v9 =	vor.u32 v9, v10  }
0x175: {  	v10 =	vperm.xlane v9, v6;
	_ =	sdelay $0x1  }
0x176: {  	v10 =	vadd.s32 v7, v10;
	_ =	sdelay $0x3  }
0x177: {  	v9 =	vperm.xlane v9, v8  }
0x178: {  	[hbm4b:s5+s6] =	stream.indirect_vreg.scatter [tilespmem:s7], [sflag:$0x2], $0x80, v10, vm0, $0xb8;
	[tilespmem:$0x1E180] =	vst v63  }
0x179: {  	v9 =	vadd.s32 v7, v9  }
0x17a: {  	[hbm4b:s8+s6] =	stream.indirect_vreg.scatter [tilespmem:s12], [sflag:$0x2], $0x80, v10, vm0, $0xb8;
	[tilespmem:$0x1E180] =	vst v63  }
0x17b: {  	_ = 	snop  }
0x17c: {  	[hbm4b:s9+s6] =	stream.indirect_vreg.scatter [tilespmem:s15], [sflag:$0x2], $0x80, v10, vm0, $0xb8;
	[tilespmem:$0x1E180] =	vst v63  }
0x17d: {  	_ = 	snop  }
0x17e: {  	[hbm4b:s5+s6] =	stream.indirect_vreg.scatter [tilespmem:s19], [sflag:$0x2], $0x80, v9, vm0, $0xb8;
	[tilespmem:$0x1E180] =	vst v63  }
0x17f: {  	_ = 	snop  }
0x180: {  	[hbm4b:s8+s6] =	stream.indirect_vreg.scatter [tilespmem:s20], [sflag:$0x2], $0x80, v9, vm0, $0xb8;
	[tilespmem:$0x1E180] =	vst v63  }
0x181: {  	_ = 	snop  }
0x182: {  	[hbm4b:s9+s6] =	stream.indirect_vreg.scatter [tilespmem:s21], [sflag:$0x2], $0x80, v9, vm0, $0xb8;
	[tilespmem:$0x1E180] =	vst v63  }
0x183: {  	v9 =	vld [tilespmem:s1+$0xFFFFFF80];
	_ =	sdelay $0x4  }
0x184: {  	v10 =	vshrl.u32 v9, $0x3  }
0x185: {  	v10 =	vmul.u32 $0x30, v10  }
0x186: {  	v9 =	vand.u32 $0x7, v9  }
0x187: {  	v9 =	vor.u32 v9, v10  }
0x188: {  	v10 =	vperm.xlane v9, v6;
	_ =	sdelay $0x1  }
0x189: {  	v10 =	vadd.s32 v7, v10;
	_ =	sdelay $0x3  }
0x18a: {  	v9 =	vperm.xlane v9, v8  }
0x18b: {  	[hbm4b:s5+s6] =	stream.indirect_vreg.scatter [tilespmem:s13], [sflag:$0x2], $0x80, v10, vm0, $0xb8;
	[tilespmem:$0x1E180] =	vst v63  }
0x18c: {  	v9 =	vadd.s32 v7, v9  }
0x18d: {  	[hbm4b:s8+s6] =	stream.indirect_vreg.scatter [tilespmem:s22], [sflag:$0x2], $0x80, v10, vm0, $0xb8;
	[tilespmem:$0x1E180] =	vst v63  }
0x18e: {  	_ = 	snop  }
0x18f: {  	[hbm4b:s9+s6] =	stream.indirect_vreg.scatter [tilespmem:s23], [sflag:$0x2], $0x80, v10, vm0, $0xb8;
	[tilespmem:$0x1E180] =	vst v63  }
0x190: {  	_ = 	snop  }
0x191: {  	[hbm4b:s5+s6] =	stream.indirect_vreg.scatter [tilespmem:s24], [sflag:$0x2], $0x80, v9, vm0, $0xb8;
	[tilespmem:$0x1E180] =	vst v63  }
0x192: {  	_ = 	snop  }
0x193: {  	[hbm4b:s8+s6] =	stream.indirect_vreg.scatter [tilespmem:s25], [sflag:$0x2], $0x80, v9, vm0, $0xb8;
	[tilespmem:$0x1E180] =	vst v63  }
0x194: {  	_ = 	snop  }
0x195: {  	[hbm4b:s9+s6] =	stream.indirect_vreg.scatter [tilespmem:s26], [sflag:$0x2], $0x80, v9, vm0, $0xb8;
	[tilespmem:$0x1E180] =	vst v63  }
.LBB2_14:
0x196: {  	s15 =	sadd.s32 $0x20, s31  }
0x197: {  	p1 =	sge.s32 @!p0 s15, s30  }
0x198: {  	p0 =	por p1, p0;
	p1 =	sge.s32 s15, s30  }
.Ltmp12:
0x199: {  	_ = 	snop;
	(pc) =	sbr.rel @p1 .LBB2_16-.Ltmp12, $4  }
0x19a: {  	s7 =	simm.s32 @!p0 $0x3  }
0x19b: {  	_ =	swait.ge @!p0 [sflag:s7], $0x6000  }
0x19c: {  	[sflag:s7] =	ssyncset.done @!p0 $0x0  }
0x19d: {  	[sflag:s7] =	ssyncadd.s32 @!p0 $0xFFFFA000  }
0x19e: {  	v9 =	vld [tilespmem:s3+$0x0];
	_ =	sdelay $0x4  }
0x19f: {  	v9 =	vadd.s32 v2, v9  }
0x1a0: {  	[tilespmem:s2+$0xFFFFFFF0] =	vst v9  }
0x1a1: {  	v9 =	vld [tilespmem:s4+$0x0];
	_ =	sdelay $0x4  }
0x1a2: {  	v9 =	vadd.s32 v0, v9  }
0x1a3: {  	[tilespmem:s1+$0xFFFFFFF0] =	vst v9  }
0x1a4: {  	v9 =	vld [tilespmem:s3+$0x10];
	_ =	sdelay $0x4  }
0x1a5: {  	v9 =	vadd.s32 v2, v9  }
0x1a6: {  	[tilespmem:s2+$0x0] =	vst v9  }
0x1a7: {  	v9 =	vld [tilespmem:s4+$0x10];
	_ =	sdelay $0x4  }
0x1a8: {  	v9 =	vadd.s32 v0, v9  }
0x1a9: {  	[tilespmem:s1+$0x0] =	vst v9  }
0x1aa: {  	v9 =	vld [tilespmem:s2+$0xFFFFFFF0];
	_ =	sdelay $0x4  }
0x1ab: {  	v10 =	vshrl.u32 v9, $0x3  }
0x1ac: {  	v10 =	vmul.u32 $0x30, v10  }
0x1ad: {  	v9 =	vand.u32 $0x7, v9  }
0x1ae: {  	v9 =	vor.u32 v9, v10  }
0x1af: {  	v10 =	vperm.xlane v9, v6;
	_ =	sdelay $0x1  }
0x1b0: {  	v10 =	vadd.s32 v7, v10;
	_ =	sdelay $0x3  }
0x1b1: {  	s7 =	simm.s32 $0x13180;
	v9 =	vperm.xlane v9, v8  }
0x1b2: {  	[tilespmem:s7], [sflag:$0x4] =	stream.indirect_vreg.gather [hbm4b:s0+s6], $0x80, v10, vm0, $0xb8;
	[tilespmem:$0x1E180] =	vst v63  }
0x1b3: {  	s12 =	simm.s32 $0x13980;
	v9 =	vadd.s32 v7, v9  }
0x1b4: {  	[tilespmem:s12], [sflag:$0x4] =	stream.indirect_vreg.gather [hbm4b:s10+s6], $0x80, v10, vm0, $0xb8;
	[tilespmem:$0x1E180] =	vst v63  }
0x1b5: {  	s13 =	simm.s32 $0x14180  }
0x1b6: {  	[tilespmem:s13], [sflag:$0x4] =	stream.indirect_vreg.gather [hbm4b:s11+s6], $0x80, v10, vm0, $0xb8;
	[tilespmem:$0x1E180] =	vst v63  }
0x1b7: {  	s15 =	simm.s32 $0x14980  }
0x1b8: {  	[tilespmem:s15], [sflag:$0x4] =	stream.indirect_vreg.gather [hbm4b:s0+s6], $0x80, v9, vm0, $0xb8;
	[tilespmem:$0x1E180] =	vst v63  }
0x1b9: {  	s19 =	simm.s32 $0x15180  }
0x1ba: {  	[tilespmem:s19], [sflag:$0x4] =	stream.indirect_vreg.gather [hbm4b:s10+s6], $0x80, v9, vm0, $0xb8;
	[tilespmem:$0x1E180] =	vst v63  }
0x1bb: {  	s20 =	simm.s32 $0x15980  }
0x1bc: {  	[tilespmem:s20], [sflag:$0x4] =	stream.indirect_vreg.gather [hbm4b:s11+s6], $0x80, v9, vm0, $0xb8;
	[tilespmem:$0x1E180] =	vst v63  }
0x1bd: {  	v9 =	vld [tilespmem:s2+$0x0];
	_ =	sdelay $0x4  }
0x1be: {  	v10 =	vshrl.u32 v9, $0x3  }
0x1bf: {  	v10 =	vmul.u32 $0x30, v10  }
0x1c0: {  	v9 =	vand.u32 $0x7, v9  }
0x1c1: {  	v9 =	vor.u32 v9, v10  }
0x1c2: {  	v10 =	vperm.xlane v9, v6;
	_ =	sdelay $0x1  }
0x1c3: {  	v10 =	vadd.s32 v7, v10;
	_ =	sdelay $0x3  }
0x1c4: {  	s21 =	simm.s32 $0x16180;
	v9 =	vperm.xlane v9, v8  }
0x1c5: {  	[tilespmem:s21], [sflag:$0x4] =	stream.indirect_vreg.gather [hbm4b:s0+s6], $0x80, v10, vm0, $0xb8;
	[tilespmem:$0x1E180] =	vst v63  }
0x1c6: {  	s22 =	simm.s32 $0x16980;
	v9 =	vadd.s32 v7, v9  }
0x1c7: {  	[tilespmem:s22], [sflag:$0x4] =	stream.indirect_vreg.gather [hbm4b:s10+s6], $0x80, v10, vm0, $0xb8;
	[tilespmem:$0x1E180] =	vst v63  }
0x1c8: {  	s23 =	simm.s32 $0x17180  }
0x1c9: {  	[tilespmem:s23], [sflag:$0x4] =	stream.indirect_vreg.gather [hbm4b:s11+s6], $0x80, v10, vm0, $0xb8;
	[tilespmem:$0x1E180] =	vst v63  }
0x1ca: {  	s24 =	simm.s32 $0x17980  }
0x1cb: {  	[tilespmem:s24], [sflag:$0x4] =	stream.indirect_vreg.gather [hbm4b:s0+s6], $0x80, v9, vm0, $0xb8;
	[tilespmem:$0x1E180] =	vst v63  }
0x1cc: {  	s25 =	simm.s32 $0x18180  }
0x1cd: {  	[tilespmem:s25], [sflag:$0x4] =	stream.indirect_vreg.gather [hbm4b:s10+s6], $0x80, v9, vm0, $0xb8;
	[tilespmem:$0x1E180] =	vst v63  }
0x1ce: {  	_ = 	snop  }
0x1cf: {  	[tilespmem:s28], [sflag:$0x4] =	stream.indirect_vreg.gather [hbm4b:s11+s6], $0x80, v9, vm0, $0xb8;
	[tilespmem:$0x1E180] =	vst v63  }
0x1d0: {  	_ =	swait.ge [sflag:s14], $0x6000  }
0x1d1: {  	[sflag:s14] =	ssyncset.done $0x0  }
0x1d2: {  	[sflag:s14] =	ssyncadd.s32 $0xFFFFA000  }
0x1d3: {  	v9 =	vld [tilespmem:s1+$0xFFFFFFF0];
	_ =	sdelay $0x4  }
0x1d4: {  	v10 =	vshrl.u32 v9, $0x3  }
0x1d5: {  	v10 =	vmul.u32 $0x30, v10  }
0x1d6: {  	v9 =	vand.u32 $0x7, v9  }
0x1d7: {  	v9 =	vor.u32 v9, v10  }
0x1d8: {  	v10 =	vperm.xlane v9, v6;
	_ =	sdelay $0x1  }
0x1d9: {  	v10 =	vadd.s32 v7, v10;
	_ =	sdelay $0x3  }
0x1da: {  	v9 =	vperm.xlane v9, v8  }
0x1db: {  	[hbm4b:s5+s6] =	stream.indirect_vreg.scatter [tilespmem:s7], [sflag:$0x3], $0x80, v10, vm0, $0xb8;
	[tilespmem:$0x1E180] =	vst v63  }
0x1dc: {  	v9 =	vadd.s32 v7, v9  }
0x1dd: {  	[hbm4b:s8+s6] =	stream.indirect_vreg.scatter [tilespmem:s12], [sflag:$0x3], $0x80, v10, vm0, $0xb8;
	[tilespmem:$0x1E180] =	vst v63  }
0x1de: {  	_ = 	snop  }
0x1df: {  	[hbm4b:s9+s6] =	stream.indirect_vreg.scatter [tilespmem:s13], [sflag:$0x3], $0x80, v10, vm0, $0xb8;
	[tilespmem:$0x1E180] =	vst v63  }
0x1e0: {  	_ = 	snop  }
0x1e1: {  	[hbm4b:s5+s6] =	stream.indirect_vreg.scatter [tilespmem:s15], [sflag:$0x3], $0x80, v9, vm0, $0xb8;
	[tilespmem:$0x1E180] =	vst v63  }
0x1e2: {  	_ = 	snop  }
0x1e3: {  	[hbm4b:s8+s6] =	stream.indirect_vreg.scatter [tilespmem:s19], [sflag:$0x3], $0x80, v9, vm0, $0xb8;
	[tilespmem:$0x1E180] =	vst v63  }
0x1e4: {  	_ = 	snop  }
0x1e5: {  	[hbm4b:s9+s6] =	stream.indirect_vreg.scatter [tilespmem:s20], [sflag:$0x3], $0x80, v9, vm0, $0xb8;
	[tilespmem:$0x1E180] =	vst v63  }
0x1e6: {  	v9 =	vld [tilespmem:s1+$0x0];
	_ =	sdelay $0x4  }
0x1e7: {  	v10 =	vshrl.u32 v9, $0x3  }
0x1e8: {  	v10 =	vmul.u32 $0x30, v10  }
0x1e9: {  	v9 =	vand.u32 $0x7, v9  }
0x1ea: {  	v9 =	vor.u32 v9, v10  }
0x1eb: {  	v10 =	vperm.xlane v9, v6;
	_ =	sdelay $0x1  }
0x1ec: {  	v10 =	vadd.s32 v7, v10;
	_ =	sdelay $0x3  }
0x1ed: {  	v9 =	vperm.xlane v9, v8  }
0x1ee: {  	[hbm4b:s5+s6] =	stream.indirect_vreg.scatter [tilespmem:s21], [sflag:$0x3], $0x80, v10, vm0, $0xb8;
	[tilespmem:$0x1E180] =	vst v63  }
0x1ef: {  	v9 =	vadd.s32 v7, v9  }
0x1f0: {  	[hbm4b:s8+s6] =	stream.indirect_vreg.scatter [tilespmem:s22], [sflag:$0x3], $0x80, v10, vm0, $0xb8;
	[tilespmem:$0x1E180] =	vst v63  }
0x1f1: {  	_ = 	snop  }
0x1f2: {  	[hbm4b:s9+s6] =	stream.indirect_vreg.scatter [tilespmem:s23], [sflag:$0x3], $0x80, v10, vm0, $0xb8;
	[tilespmem:$0x1E180] =	vst v63  }
0x1f3: {  	_ = 	snop  }
0x1f4: {  	[hbm4b:s5+s6] =	stream.indirect_vreg.scatter [tilespmem:s24], [sflag:$0x3], $0x80, v9, vm0, $0xb8;
	[tilespmem:$0x1E180] =	vst v63  }
.Ltmp13:
0x1f5: {  	_ = 	snop;
	(pc) =	sbr.rel .LBB2_16-.Ltmp13, $4  }
0x1f6: {  	_ = 	snop  }
0x1f7: {  	[hbm4b:s8+s6] =	stream.indirect_vreg.scatter [tilespmem:s25], [sflag:$0x3], $0x80, v9, vm0, $0xb8;
	[tilespmem:$0x1E180] =	vst v63  }
0x1f8: {  	_ = 	snop  }
0x1f9: {  	[hbm4b:s9+s6] =	stream.indirect_vreg.scatter [tilespmem:s28], [sflag:$0x3], $0x80, v9, vm0, $0xb8;
	[tilespmem:$0x1E180] =	vst v63  }
.LBB2_17:
0x1fa: {  	p0 =	slt.s32 s30, $0x1;
	s31 =	simm.s32 $0x20  }
0x1fb: {  	s2 =	simm.s32 $0x8A0;
	s3 =	simm.s32 $0x1C210;
	s1 =	simm.s32 @!p0 $0x2  }
0x1fc: {  	s4 =	simm.s32 $0x1A210;
	p1 =	slt.u32 @!p0 s30, $0x21;
	_ =	swait.ge @!p0 [sflag:s1], $0x6000  }
.Ltmp14:
0x1fd: {  	p2 =	por p1, p0;
	[sflag:s1] =	ssyncset.done @!p0 $0x0;
	(pc) =	sbr.rel .LBB2_18-.Ltmp14, $4  }
0x1fe: {  	p3 =	por @!p0 $0x0, $0x0;
	[sflag:s1] =	ssyncadd.s32 @!p0 $0xFFFFA000;
	s1 =	simm.s32 @!p2 $0x3  }
0x1ff: {  	p1 =	por !p1, p0;
	p4 =	por @!p2 $0x1, $0x1;
	_ =	swait.ge @!p2 [sflag:s1], $0x6000  }
0x200: {  	p4 =	por @!p1 p3, p3;
	p1 =	por $0x0, $0x0;
	[sflag:s1] =	ssyncset.done @!p2 $0x0  }
0x201: {  	p1 =	por @!p0 p4, p4;
	[sflag:s1] =	ssyncadd.s32 @!p2 $0xFFFFA000;
	s1 =	simm.s32 $0x420  }
.LBB2_22:
0x202: {  	s31 =	sadd.s32 $0x40, s31  }
0x203: {  	p2 =	sne.s32 s31, $0x420  }
.Ltmp15:
0x204: {  	_ = 	snop;
	(pc) =	sbr.rel @!p2 .LBB2_23-.Ltmp15, $3  }
0x205: {  	_ =	sdelay $0x1  }
0x206: {  	s1 =	sadd.s32 $0x40, s1  }
0x207: {  	s2 =	sadd.s32 $0x40, s2;
	s3 =	sadd.s32 $0x100, s3;
	s4 =	sadd.s32 $0x100, s4  }
.LBB2_18:
0x208: {  	s7 =	sadd.s32 $0xFFFFFFE0, s31;
	p2 =	seq.s32 s31, $0x20  }
0x209: {  	p3 =	sge.s32 @!p2 s7, s30;
	p4 =	sge.s32 s7, s30  }
.Ltmp16:
0x20a: {  	p3 =	por p3, p2;
	(pc) =	sbr.rel @p4 .LBB2_20-.Ltmp16, $4  }
0x20b: {  	s15 =	simm.s32 @!p3 $0x2  }
0x20c: {  	_ =	swait.ge @!p3 [sflag:s15], $0x6000  }
0x20d: {  	[sflag:s15] =	ssyncset.done @!p3 $0x0  }
0x20e: {  	[sflag:s15] =	ssyncadd.s32 @!p3 $0xFFFFA000  }
0x20f: {  	v9 =	vld [tilespmem:s2+$0xFFFFFFE0];
	_ =	sdelay $0x4  }
0x210: {  	v9 =	vadd.s32 v3, v9  }
0x211: {  	[tilespmem:s4+$0xFFFFFF70] =	vst v9  }
0x212: {  	v9 =	vld [tilespmem:s1+$0xFFFFFFE0];
	_ =	sdelay $0x4  }
0x213: {  	v9 =	vadd.s32 v1, v9  }
0x214: {  	[tilespmem:s3+$0xFFFFFF70] =	vst v9  }
0x215: {  	v9 =	vld [tilespmem:s2+$0xFFFFFFF0];
	_ =	sdelay $0x4  }
0x216: {  	v9 =	vadd.s32 v3, v9  }
0x217: {  	[tilespmem:s4+$0xFFFFFF80] =	vst v9  }
0x218: {  	v9 =	vld [tilespmem:s1+$0xFFFFFFF0];
	_ =	sdelay $0x4  }
0x219: {  	v9 =	vadd.s32 v1, v9  }
0x21a: {  	[tilespmem:s3+$0xFFFFFF80] =	vst v9  }
0x21b: {  	v9 =	vld [tilespmem:s4+$0xFFFFFF70];
	_ =	sdelay $0x4  }
0x21c: {  	v10 =	vshrl.u32 v9, $0x3  }
0x21d: {  	v10 =	vmul.u32 $0x30, v10  }
0x21e: {  	v9 =	vand.u32 $0x7, v9  }
0x21f: {  	v9 =	vor.u32 v9, v10  }
0x220: {  	v10 =	vperm.xlane v9, v6;
	_ =	sdelay $0x1  }
0x221: {  	v10 =	vadd.s32 v7, v10;
	_ =	sdelay $0x3  }
0x222: {  	s7 =	simm.s32 $0xD180;
	v9 =	vperm.xlane v9, v8  }
0x223: {  	[tilespmem:s7], [sflag:$0x4] =	stream.indirect_vreg.gather [hbm4b:s0+s6], $0x80, v10, vm0, $0xb8;
	[tilespmem:$0x1E180] =	vst v63  }
0x224: {  	s12 =	simm.s32 $0xD980;
	v9 =	vadd.s32 v7, v9  }
0x225: {  	[tilespmem:s12], [sflag:$0x4] =	stream.indirect_vreg.gather [hbm4b:s10+s6], $0x80, v10, vm0, $0xb8;
	[tilespmem:$0x1E180] =	vst v63  }
0x226: {  	s15 =	simm.s32 $0xE180  }
0x227: {  	[tilespmem:s15], [sflag:$0x4] =	stream.indirect_vreg.gather [hbm4b:s11+s6], $0x80, v10, vm0, $0xb8;
	[tilespmem:$0x1E180] =	vst v63  }
0x228: {  	s19 =	simm.s32 $0xE980  }
0x229: {  	[tilespmem:s19], [sflag:$0x4] =	stream.indirect_vreg.gather [hbm4b:s0+s6], $0x80, v9, vm0, $0xb8;
	[tilespmem:$0x1E180] =	vst v63  }
0x22a: {  	s20 =	simm.s32 $0xF180  }
0x22b: {  	[tilespmem:s20], [sflag:$0x4] =	stream.indirect_vreg.gather [hbm4b:s10+s6], $0x80, v9, vm0, $0xb8;
	[tilespmem:$0x1E180] =	vst v63  }
0x22c: {  	s21 =	simm.s32 $0xF980  }
0x22d: {  	[tilespmem:s21], [sflag:$0x4] =	stream.indirect_vreg.gather [hbm4b:s11+s6], $0x80, v9, vm0, $0xb8;
	[tilespmem:$0x1E180] =	vst v63  }
0x22e: {  	v9 =	vld [tilespmem:s4+$0xFFFFFF80];
	_ =	sdelay $0x4  }
0x22f: {  	v10 =	vshrl.u32 v9, $0x3  }
0x230: {  	v10 =	vmul.u32 $0x30, v10  }
0x231: {  	v9 =	vand.u32 $0x7, v9  }
0x232: {  	v9 =	vor.u32 v9, v10  }
0x233: {  	v10 =	vperm.xlane v9, v6;
	_ =	sdelay $0x1  }
0x234: {  	v10 =	vadd.s32 v7, v10;
	_ =	sdelay $0x3  }
0x235: {  	s13 =	simm.s32 $0x10180;
	v9 =	vperm.xlane v9, v8  }
0x236: {  	[tilespmem:s13], [sflag:$0x4] =	stream.indirect_vreg.gather [hbm4b:s0+s6], $0x80, v10, vm0, $0xb8;
	[tilespmem:$0x1E180] =	vst v63  }
0x237: {  	s22 =	simm.s32 $0x10980;
	v9 =	vadd.s32 v7, v9  }
0x238: {  	[tilespmem:s22], [sflag:$0x4] =	stream.indirect_vreg.gather [hbm4b:s10+s6], $0x80, v10, vm0, $0xb8;
	[tilespmem:$0x1E180] =	vst v63  }
0x239: {  	s23 =	simm.s32 $0x11180  }
0x23a: {  	[tilespmem:s23], [sflag:$0x4] =	stream.indirect_vreg.gather [hbm4b:s11+s6], $0x80, v10, vm0, $0xb8;
	[tilespmem:$0x1E180] =	vst v63  }
0x23b: {  	s24 =	simm.s32 $0x11980  }
0x23c: {  	[tilespmem:s24], [sflag:$0x4] =	stream.indirect_vreg.gather [hbm4b:s0+s6], $0x80, v9, vm0, $0xb8;
	[tilespmem:$0x1E180] =	vst v63  }
0x23d: {  	s25 =	simm.s32 $0x12180  }
0x23e: {  	[tilespmem:s25], [sflag:$0x4] =	stream.indirect_vreg.gather [hbm4b:s10+s6], $0x80, v9, vm0, $0xb8;
	[tilespmem:$0x1E180] =	vst v63  }
0x23f: {  	s26 =	simm.s32 $0x12980  }
0x240: {  	[tilespmem:s26], [sflag:$0x4] =	stream.indirect_vreg.gather [hbm4b:s11+s6], $0x80, v9, vm0, $0xb8;
	[tilespmem:$0x1E180] =	vst v63  }
0x241: {  	_ =	swait.ge [sflag:s14], $0x6000  }
0x242: {  	[sflag:s14] =	ssyncset.done $0x0  }
0x243: {  	[sflag:s14] =	ssyncadd.s32 $0xFFFFA000  }
0x244: {  	v9 =	vld [tilespmem:s3+$0xFFFFFF70];
	_ =	sdelay $0x4  }
0x245: {  	v10 =	vshrl.u32 v9, $0x3  }
0x246: {  	v10 =	vmul.u32 $0x30, v10  }
0x247: {  	v9 =	vand.u32 $0x7, v9  }
0x248: {  	v9 =	vor.u32 v9, v10  }
0x249: {  	v10 =	vperm.xlane v9, v6;
	_ =	sdelay $0x1  }
0x24a: {  	v10 =	vadd.s32 v7, v10;
	_ =	sdelay $0x3  }
0x24b: {  	v9 =	vperm.xlane v9, v8  }
0x24c: {  	[hbm4b:s5+s6] =	stream.indirect_vreg.scatter [tilespmem:s7], [sflag:$0x2], $0x80, v10, vm0, $0xb8;
	[tilespmem:$0x1E180] =	vst v63  }
0x24d: {  	v9 =	vadd.s32 v7, v9  }
0x24e: {  	[hbm4b:s8+s6] =	stream.indirect_vreg.scatter [tilespmem:s12], [sflag:$0x2], $0x80, v10, vm0, $0xb8;
	[tilespmem:$0x1E180] =	vst v63  }
0x24f: {  	_ = 	snop  }
0x250: {  	[hbm4b:s9+s6] =	stream.indirect_vreg.scatter [tilespmem:s15], [sflag:$0x2], $0x80, v10, vm0, $0xb8;
	[tilespmem:$0x1E180] =	vst v63  }
0x251: {  	_ = 	snop  }
0x252: {  	[hbm4b:s5+s6] =	stream.indirect_vreg.scatter [tilespmem:s19], [sflag:$0x2], $0x80, v9, vm0, $0xb8;
	[tilespmem:$0x1E180] =	vst v63  }
0x253: {  	_ = 	snop  }
0x254: {  	[hbm4b:s8+s6] =	stream.indirect_vreg.scatter [tilespmem:s20], [sflag:$0x2], $0x80, v9, vm0, $0xb8;
	[tilespmem:$0x1E180] =	vst v63  }
0x255: {  	_ = 	snop  }
0x256: {  	[hbm4b:s9+s6] =	stream.indirect_vreg.scatter [tilespmem:s21], [sflag:$0x2], $0x80, v9, vm0, $0xb8;
	[tilespmem:$0x1E180] =	vst v63  }
0x257: {  	v9 =	vld [tilespmem:s3+$0xFFFFFF80];
	_ =	sdelay $0x4  }
0x258: {  	v10 =	vshrl.u32 v9, $0x3  }
0x259: {  	v10 =	vmul.u32 $0x30, v10  }
0x25a: {  	v9 =	vand.u32 $0x7, v9  }
0x25b: {  	v9 =	vor.u32 v9, v10  }
0x25c: {  	v10 =	vperm.xlane v9, v6;
	_ =	sdelay $0x1  }
0x25d: {  	v10 =	vadd.s32 v7, v10;
	_ =	sdelay $0x3  }
0x25e: {  	v9 =	vperm.xlane v9, v8  }
0x25f: {  	[hbm4b:s5+s6] =	stream.indirect_vreg.scatter [tilespmem:s13], [sflag:$0x2], $0x80, v10, vm0, $0xb8;
	[tilespmem:$0x1E180] =	vst v63  }
0x260: {  	v9 =	vadd.s32 v7, v9  }
0x261: {  	[hbm4b:s8+s6] =	stream.indirect_vreg.scatter [tilespmem:s22], [sflag:$0x2], $0x80, v10, vm0, $0xb8;
	[tilespmem:$0x1E180] =	vst v63  }
0x262: {  	_ = 	snop  }
0x263: {  	[hbm4b:s9+s6] =	stream.indirect_vreg.scatter [tilespmem:s23], [sflag:$0x2], $0x80, v10, vm0, $0xb8;
	[tilespmem:$0x1E180] =	vst v63  }
0x264: {  	_ = 	snop  }
0x265: {  	[hbm4b:s5+s6] =	stream.indirect_vreg.scatter [tilespmem:s24], [sflag:$0x2], $0x80, v9, vm0, $0xb8;
	[tilespmem:$0x1E180] =	vst v63  }
0x266: {  	_ = 	snop  }
0x267: {  	[hbm4b:s8+s6] =	stream.indirect_vreg.scatter [tilespmem:s25], [sflag:$0x2], $0x80, v9, vm0, $0xb8;
	[tilespmem:$0x1E180] =	vst v63  }
0x268: {  	_ = 	snop  }
0x269: {  	[hbm4b:s9+s6] =	stream.indirect_vreg.scatter [tilespmem:s26], [sflag:$0x2], $0x80, v9, vm0, $0xb8;
	[tilespmem:$0x1E180] =	vst v63  }
.LBB2_20:
0x26a: {  	p3 =	sge.s32 @!p2 s31, s30  }
0x26b: {  	p2 =	por p3, p2;
	p3 =	sge.s32 s31, s30  }
.Ltmp17:
0x26c: {  	_ = 	snop;
	(pc) =	sbr.rel @p3 .LBB2_22-.Ltmp17, $4  }
0x26d: {  	s7 =	simm.s32 @!p2 $0x3  }
0x26e: {  	_ =	swait.ge @!p2 [sflag:s7], $0x6000  }
0x26f: {  	[sflag:s7] =	ssyncset.done @!p2 $0x0  }
0x270: {  	[sflag:s7] =	ssyncadd.s32 @!p2 $0xFFFFA000  }
0x271: {  	v9 =	vld [tilespmem:s2+$0x0];
	_ =	sdelay $0x4  }
0x272: {  	v9 =	vadd.s32 v3, v9  }
0x273: {  	[tilespmem:s4+$0xFFFFFFF0] =	vst v9  }
0x274: {  	v9 =	vld [tilespmem:s1+$0x0];
	_ =	sdelay $0x4  }
0x275: {  	v9 =	vadd.s32 v1, v9  }
0x276: {  	[tilespmem:s3+$0xFFFFFFF0] =	vst v9  }
0x277: {  	v9 =	vld [tilespmem:s2+$0x10];
	_ =	sdelay $0x4  }
0x278: {  	v9 =	vadd.s32 v3, v9  }
0x279: {  	[tilespmem:s4+$0x0] =	vst v9  }
0x27a: {  	v9 =	vld [tilespmem:s1+$0x10];
	_ =	sdelay $0x4  }
0x27b: {  	v9 =	vadd.s32 v1, v9  }
0x27c: {  	[tilespmem:s3+$0x0] =	vst v9  }
0x27d: {  	v9 =	vld [tilespmem:s4+$0xFFFFFFF0];
	_ =	sdelay $0x4  }
0x27e: {  	v10 =	vshrl.u32 v9, $0x3  }
0x27f: {  	v10 =	vmul.u32 $0x30, v10  }
0x280: {  	v9 =	vand.u32 $0x7, v9  }
0x281: {  	v9 =	vor.u32 v9, v10  }
0x282: {  	v10 =	vperm.xlane v9, v6;
	_ =	sdelay $0x1  }
0x283: {  	v10 =	vadd.s32 v7, v10;
	_ =	sdelay $0x3  }
0x284: {  	s7 =	simm.s32 $0x13180;
	v9 =	vperm.xlane v9, v8  }
0x285: {  	[tilespmem:s7], [sflag:$0x4] =	stream.indirect_vreg.gather [hbm4b:s0+s6], $0x80, v10, vm0, $0xb8;
	[tilespmem:$0x1E180] =	vst v63  }
0x286: {  	s12 =	simm.s32 $0x13980;
	v9 =	vadd.s32 v7, v9  }
0x287: {  	[tilespmem:s12], [sflag:$0x4] =	stream.indirect_vreg.gather [hbm4b:s10+s6], $0x80, v10, vm0, $0xb8;
	[tilespmem:$0x1E180] =	vst v63  }
0x288: {  	s13 =	simm.s32 $0x14180  }
0x289: {  	[tilespmem:s13], [sflag:$0x4] =	stream.indirect_vreg.gather [hbm4b:s11+s6], $0x80, v10, vm0, $0xb8;
	[tilespmem:$0x1E180] =	vst v63  }
0x28a: {  	s15 =	simm.s32 $0x14980  }
0x28b: {  	[tilespmem:s15], [sflag:$0x4] =	stream.indirect_vreg.gather [hbm4b:s0+s6], $0x80, v9, vm0, $0xb8;
	[tilespmem:$0x1E180] =	vst v63  }
0x28c: {  	s19 =	simm.s32 $0x15180  }
0x28d: {  	[tilespmem:s19], [sflag:$0x4] =	stream.indirect_vreg.gather [hbm4b:s10+s6], $0x80, v9, vm0, $0xb8;
	[tilespmem:$0x1E180] =	vst v63  }
0x28e: {  	s20 =	simm.s32 $0x15980  }
0x28f: {  	[tilespmem:s20], [sflag:$0x4] =	stream.indirect_vreg.gather [hbm4b:s11+s6], $0x80, v9, vm0, $0xb8;
	[tilespmem:$0x1E180] =	vst v63  }
0x290: {  	v9 =	vld [tilespmem:s4+$0x0];
	_ =	sdelay $0x4  }
0x291: {  	v10 =	vshrl.u32 v9, $0x3  }
0x292: {  	v10 =	vmul.u32 $0x30, v10  }
0x293: {  	v9 =	vand.u32 $0x7, v9  }
0x294: {  	v9 =	vor.u32 v9, v10  }
0x295: {  	v10 =	vperm.xlane v9, v6;
	_ =	sdelay $0x1  }
0x296: {  	v10 =	vadd.s32 v7, v10;
	_ =	sdelay $0x3  }
0x297: {  	s21 =	simm.s32 $0x16180;
	v9 =	vperm.xlane v9, v8  }
0x298: {  	[tilespmem:s21], [sflag:$0x4] =	stream.indirect_vreg.gather [hbm4b:s0+s6], $0x80, v10, vm0, $0xb8;
	[tilespmem:$0x1E180] =	vst v63  }
0x299: {  	s22 =	simm.s32 $0x16980;
	v9 =	vadd.s32 v7, v9  }
0x29a: {  	[tilespmem:s22], [sflag:$0x4] =	stream.indirect_vreg.gather [hbm4b:s10+s6], $0x80, v10, vm0, $0xb8;
	[tilespmem:$0x1E180] =	vst v63  }
0x29b: {  	s23 =	simm.s32 $0x17180  }
0x29c: {  	[tilespmem:s23], [sflag:$0x4] =	stream.indirect_vreg.gather [hbm4b:s11+s6], $0x80, v10, vm0, $0xb8;
	[tilespmem:$0x1E180] =	vst v63  }
0x29d: {  	s24 =	simm.s32 $0x17980  }
0x29e: {  	[tilespmem:s24], [sflag:$0x4] =	stream.indirect_vreg.gather [hbm4b:s0+s6], $0x80, v9, vm0, $0xb8;
	[tilespmem:$0x1E180] =	vst v63  }
0x29f: {  	s25 =	simm.s32 $0x18180  }
0x2a0: {  	[tilespmem:s25], [sflag:$0x4] =	stream.indirect_vreg.gather [hbm4b:s10+s6], $0x80, v9, vm0, $0xb8;
	[tilespmem:$0x1E180] =	vst v63  }
0x2a1: {  	_ = 	snop  }
0x2a2: {  	[tilespmem:s28], [sflag:$0x4] =	stream.indirect_vreg.gather [hbm4b:s11+s6], $0x80, v9, vm0, $0xb8;
	[tilespmem:$0x1E180] =	vst v63  }
0x2a3: {  	_ =	swait.ge [sflag:s14], $0x6000  }
0x2a4: {  	[sflag:s14] =	ssyncset.done $0x0  }
0x2a5: {  	[sflag:s14] =	ssyncadd.s32 $0xFFFFA000  }
0x2a6: {  	v9 =	vld [tilespmem:s3+$0xFFFFFFF0];
	_ =	sdelay $0x4  }
0x2a7: {  	v10 =	vshrl.u32 v9, $0x3  }
0x2a8: {  	v10 =	vmul.u32 $0x30, v10  }
0x2a9: {  	v9 =	vand.u32 $0x7, v9  }
0x2aa: {  	v9 =	vor.u32 v9, v10  }
0x2ab: {  	v10 =	vperm.xlane v9, v6;
	_ =	sdelay $0x1  }
0x2ac: {  	v10 =	vadd.s32 v7, v10;
	_ =	sdelay $0x3  }
0x2ad: {  	v9 =	vperm.xlane v9, v8  }
0x2ae: {  	[hbm4b:s5+s6] =	stream.indirect_vreg.scatter [tilespmem:s7], [sflag:$0x3], $0x80, v10, vm0, $0xb8;
	[tilespmem:$0x1E180] =	vst v63  }
0x2af: {  	v9 =	vadd.s32 v7, v9  }
0x2b0: {  	[hbm4b:s8+s6] =	stream.indirect_vreg.scatter [tilespmem:s12], [sflag:$0x3], $0x80, v10, vm0, $0xb8;
	[tilespmem:$0x1E180] =	vst v63  }
0x2b1: {  	_ = 	snop  }
0x2b2: {  	[hbm4b:s9+s6] =	stream.indirect_vreg.scatter [tilespmem:s13], [sflag:$0x3], $0x80, v10, vm0, $0xb8;
	[tilespmem:$0x1E180] =	vst v63  }
0x2b3: {  	_ = 	snop  }
0x2b4: {  	[hbm4b:s5+s6] =	stream.indirect_vreg.scatter [tilespmem:s15], [sflag:$0x3], $0x80, v9, vm0, $0xb8;
	[tilespmem:$0x1E180] =	vst v63  }
0x2b5: {  	_ = 	snop  }
0x2b6: {  	[hbm4b:s8+s6] =	stream.indirect_vreg.scatter [tilespmem:s19], [sflag:$0x3], $0x80, v9, vm0, $0xb8;
	[tilespmem:$0x1E180] =	vst v63  }
0x2b7: {  	_ = 	snop  }
0x2b8: {  	[hbm4b:s9+s6] =	stream.indirect_vreg.scatter [tilespmem:s20], [sflag:$0x3], $0x80, v9, vm0, $0xb8;
	[tilespmem:$0x1E180] =	vst v63  }
0x2b9: {  	v9 =	vld [tilespmem:s3+$0x0];
	_ =	sdelay $0x4  }
0x2ba: {  	v10 =	vshrl.u32 v9, $0x3  }
0x2bb: {  	v10 =	vmul.u32 $0x30, v10  }
0x2bc: {  	v9 =	vand.u32 $0x7, v9  }
0x2bd: {  	v9 =	vor.u32 v9, v10  }
0x2be: {  	v10 =	vperm.xlane v9, v6;
	_ =	sdelay $0x1  }
0x2bf: {  	v10 =	vadd.s32 v7, v10;
	_ =	sdelay $0x3  }
0x2c0: {  	v9 =	vperm.xlane v9, v8  }
0x2c1: {  	[hbm4b:s5+s6] =	stream.indirect_vreg.scatter [tilespmem:s21], [sflag:$0x3], $0x80, v10, vm0, $0xb8;
	[tilespmem:$0x1E180] =	vst v63  }
0x2c2: {  	v9 =	vadd.s32 v7, v9  }
0x2c3: {  	[hbm4b:s8+s6] =	stream.indirect_vreg.scatter [tilespmem:s22], [sflag:$0x3], $0x80, v10, vm0, $0xb8;
	[tilespmem:$0x1E180] =	vst v63  }
0x2c4: {  	_ = 	snop  }
0x2c5: {  	[hbm4b:s9+s6] =	stream.indirect_vreg.scatter [tilespmem:s23], [sflag:$0x3], $0x80, v10, vm0, $0xb8;
	[tilespmem:$0x1E180] =	vst v63  }
0x2c6: {  	_ = 	snop  }
0x2c7: {  	[hbm4b:s5+s6] =	stream.indirect_vreg.scatter [tilespmem:s24], [sflag:$0x3], $0x80, v9, vm0, $0xb8;
	[tilespmem:$0x1E180] =	vst v63  }
.Ltmp18:
0x2c8: {  	_ = 	snop;
	(pc) =	sbr.rel .LBB2_22-.Ltmp18, $4  }
0x2c9: {  	_ = 	snop  }
0x2ca: {  	[hbm4b:s8+s6] =	stream.indirect_vreg.scatter [tilespmem:s25], [sflag:$0x3], $0x80, v9, vm0, $0xb8;
	[tilespmem:$0x1E180] =	vst v63  }
0x2cb: {  	_ = 	snop  }
0x2cc: {  	[hbm4b:s9+s6] =	stream.indirect_vreg.scatter [tilespmem:s28], [sflag:$0x3], $0x80, v9, vm0, $0xb8;
	[tilespmem:$0x1E180] =	vst v63  }
.LBB2_23:
0x2cd: {  	s1 =	simm.s32 @!p0 $0x2  }
0x2ce: {  	_ =	swait.ge @!p0 [sflag:s1], $0x6000  }
0x2cf: {  	[sflag:s1] =	ssyncset.done @!p0 $0x0  }
0x2d0: {  	[sflag:s1] =	ssyncadd.s32 @!p0 $0xFFFFA000;
	s1 =	simm.s32 @p1 $0x3  }
0x2d1: {  	_ =	swait.ge @p1 [sflag:s1], $0x6000  }
0x2d2: {  	p0 =	sle.s32 s29, $0x0;
	[sflag:s1] =	ssyncset.done @p1 $0x0  }
0x2d3: {  	[sflag:s1] =	ssyncadd.s32 @p1 $0xFFFFA000;
	s1 =	simm.s32 @!p0 $0x1;
	p0 =	por p0, p0  }
0x2d4: {  	_ =	swait.ge @!p0 [sflag:s1], $0xC000  }
0x2d5: {  	[sflag:s1] =	ssyncset.done @!p0 $0x0  }
0x2d6: {  	[sflag:s1] =	ssyncadd.s32 @!p0 $0xFFFF4000  }
0x2d7: {  	_ =	swait.ge @!p0 [sflag:s1], $0xC000  }
0x2d8: {  	s2 =	simm.s32 $0x80;
	p1 =	sle.s32 s29, $0x40;
	[sflag:s1] =	ssyncset.done @!p0 $0x0  }
.LBB2_24:
0x2d9: {  	[sflag:s1] =	ssyncadd.s32 @!p0 $0xFFFF4000;
	s3 =	smov.u32 s2;
	s2 =	sadd.s32 $0x40, s2  }
0x2da: {  	s1 =	simm.s32 @!p1 $0x1;
	p0 =	por p1, p1;
	p2 =	sne.s32 s2, $0x400  }
.Ltmp19:
0x2db: {  	_ =	swait.ge @!p0 [sflag:s1], $0xC000;
	(pc) =	sbr.rel @p2 .LBB2_24-.Ltmp19, $4  }
0x2dc: {  	[sflag:s1] =	ssyncset.done @!p0 $0x0  }
0x2dd: {  	[sflag:s1] =	ssyncadd.s32 @!p0 $0xFFFF4000  }
0x2de: {  	_ =	swait.ge @!p0 [sflag:s1], $0xC000  }
0x2df: {  	p1 =	sge.s32 s3, s29;
	[sflag:s1] =	ssyncset.done @!p0 $0x0  }
0x2e0: {  	s2 =	simm.s32 @!p1 $0x1;
	[sflag:s1] =	ssyncadd.s32 @!p0 $0xFFFF4000;
	p0 =	por p1, p1  }
0x2e1: {  	_ =	swait.ge @!p0 [sflag:s2], $0xC000  }
0x2e2: {  	[sflag:s2] =	ssyncset.done @!p0 $0x0  }
0x2e3: {  	[sflag:s2] =	ssyncadd.s32 @!p0 $0xFFFF4000  }
0x2e4: {  	_ =	swait.ge @!p0 [sflag:s2], $0xC000  }
0x2e5: {  	s3 =	rddreg [dreg:$0x8]  }
0x2e6: {  	s30 =	rddreg [dreg:$0x7];
	s3 =	sadd.s32 $0x1, s3  }
0x2e7: {  	p1 =	sne.s32 s3, s30  }
.Ltmp20:
0x2e8: {  	_ = 	snop;
	(pc) =	sbr.rel @p1 .LBB2_1-.Ltmp20, $3  }
0x2e9: {  	_ =	sdelay $0x1  }
0x2ea: {  	s7 =	simm.s32 $0x1180;
	[sflag:s2] =	ssyncset.done @!p0 $0x0  }
0x2eb: {  	s15 =	simm.s32 $0x1980;
	s31 =	simm.s32 $0x2180;
	[sflag:s2] =	ssyncadd.s32 @!p0 $0xFFFF4000  }
0x2ec: {  	_ =	sfence.sel $0x180000  }
0x2ed: {  	[bflag:$0x0] =	sbarrier.arrive $0xFFFF  }
0x2ee: {  	_ =	strace $0x90000047  }
0x2ef: {  	s0 =	stileid.u32;
	[bflag:$0x2] =	sbarrier.arrive $0xFFFF  }
0x2f0: {  	p0 =	sne.s32 s0, $0x0;
	s0 =	rddreg [dreg:$0x5]  }
0x2f1: {  	s0 =	sadd.s32 @!p0 $0x100000, s0  }
0x2f2: {  	[sflag:s0] =	ssyncadd.tile.s32 @!p0 $0x1;
	_ =	shalt  }
.Lfunc_end2:
_tile_overlayer_lowered:
.L_overlay_start_2:
0x2f3: {  	(tag) =	ssettag $0x2  }
0x2f4: {  	s0 =	rddreg [dreg:$0x0];
	s2 =	stileid.u32  }
0x2f5: {  	s1 =	rddreg [dreg:$0x1];
	p0 =	sne.s32 s2, $0x0  }
0x2f6: {  	s3 =	rddreg [dreg:$0x2];
	[bflag:$0x3] =	sbarrier.arrive $0xFFFF;
	s2 =	simm.s32 @!p0 $0x1C04  }
0x2f7: {  	[timem:s3], [sflag:s2] =	dma.local @!p0 [hbm:s0], s1  }
0x2f8: {  	s0 =	simm.s32 @!p0 $0x4  }
0x2f9: {  	_ =	swait.ge @!p0 [sflag:s0], s1  }
0x2fa: {  	s1 =	ssub.s32 @!p0 $0x0, s1;
	[sflag:s0] =	ssyncset.done @!p0 $0x0  }
0x2fb: {  	[sflag:s0] =	ssyncadd.s32 @!p0 s1  }
0x2fc: {  	[bflag:$0x3] =	sbarrier.arrive $0xFFFF  }
0x2fd: {  	_ =	shalt  }

</sc_bundles>
